<compile_context>
chip_gen: v7x
topology: tpu7x:2x2x1
jax: 0.10.2.dev20260603
libtpu: 0.0.44.dev20260713+nightly
codegen_flags: <defaults>
</compile_context>

<pallas_src>
import functools

import jax
import jax.numpy as jnp
import numpy as np
from jax import lax
from jax.experimental import pallas as pl
from jax.experimental.pallas import tpu as pltpu
from jax.experimental.pallas import tpu_sc as plsc

_ROWS = 128
_COLS = 32768
_NUM_CORES = 2
_NUM_SUBCORES = 16
_NUM_WORKERS = _NUM_CORES * _NUM_SUBCORES
_PACKED_PER_WORKER = 2
_LANES = 16
_HALF = _COLS // 2
_CHUNK_ITERS = _HALF // _LANES
_ROW_ITERS = 2 * _CHUNK_ITERS

_SIGN2 = np.int32(-2147450880)
_HI16 = np.int32(-65536)
_ONE2 = np.int32(0x00010001)
_INT32_MIN = np.int32(-(2**31))


def _scan_chunk(buf, iter0, carry):

    def body(i, carry):
        acc_l, acc_h, inv = carry
        v = buf[pl.ds(i * _LANES, _LANES)]
        acc_l = jnp.maximum(acc_l, (v << 16) | inv)
        acc_h = jnp.maximum(acc_h, (v & _HI16) | inv)
        return acc_l, acc_h, inv - 1

    inv0 = jnp.full((_LANES,), np.int32(_ROW_ITERS - 1 - iter0), jnp.int32)
    acc_l, acc_h, _ = lax.fori_loop(
        0, _CHUNK_ITERS, body, (*carry, inv0), unroll=8
    )
    return acc_l, acc_h


def _scan_chunk2(rows_v, rr):

    def body(i, carry):
        al0, ah0, inv0_, al1, ah1, inv1_ = carry
        v0 = rows_v[rr, pl.ds(i * _LANES, _LANES)]
        v1 = rows_v[rr, pl.ds(_HALF + i * _LANES, _LANES)]
        al0 = jnp.maximum(al0, (v0 << 16) | inv0_)
        ah0 = jnp.maximum(ah0, (v0 & _HI16) | inv0_)
        al1 = jnp.maximum(al1, (v1 << 16) | inv1_)
        ah1 = jnp.maximum(ah1, (v1 & _HI16) | inv1_)
        return al0, ah0, inv0_ - 1, al1, ah1, inv1_ - 1

    acc0 = jnp.full((_LANES,), _INT32_MIN, jnp.int32)
    ia = jnp.full((_LANES,), np.int32(_ROW_ITERS - 1), jnp.int32)
    ib = jnp.full((_LANES,), np.int32(_CHUNK_ITERS - 1), jnp.int32)
    al0, ah0, _, al1, ah1, _ = lax.fori_loop(
        0, _CHUNK_ITERS, body, (acc0, acc0, ia, acc0, acc0, ib), unroll=4
    )
    return (al0, ah0), (al1, ah1)


def _scan_row_exact(rows_v, rr):

    def body(i, carry):
        acc_l, acc_h, inv = carry
        v = rows_v[rr, pl.ds(i * _LANES, _LANES)]
        m = (v & _SIGN2) - ((v >> 15) & _ONE2)
        kk = v ^ m
        acc_l = jnp.maximum(acc_l, (kk << 16) | inv)
        acc_h = jnp.maximum(acc_h, (kk & _HI16) | inv)
        return acc_l, acc_h, inv - 1

    inv0 = jnp.full((_LANES,), np.int32(_ROW_ITERS - 1), jnp.int32)
    acc0 = jnp.full((_LANES,), _INT32_MIN, jnp.int32)
    acc_l, acc_h, _ = lax.fori_loop(
        0, _ROW_ITERS, body, (acc0, acc0, inv0)
    )
    return acc_l, acc_h


def _merge_lanes(acc):
    best = acc[0]
    lane = np.int32(0)
    for j in range(1, _LANES):
        a = acc[j]
        upd = a > best
        best = jnp.where(upd, a, best)
        lane = jnp.where(upd, np.int32(j), lane)
    return best, lane


def _to_col(best, lane):
    it = np.int32(_ROW_ITERS - 1) - (best & np.int32(0xFFFF))
    return it * _LANES + lane


def _finish_row(rows_v, rr, acc_l, acc_h):
    best_l, lane_l = _merge_lanes(acc_l)
    best_h, lane_h = _merge_lanes(acc_h)
    ok = jnp.logical_and(best_l > np.int32(65535), best_h > np.int32(65535))

    def fast(_):
        return _to_col(best_l, lane_l), _to_col(best_h, lane_h)

    def exact(_):
        a_l, a_h = _scan_row_exact(rows_v, rr)
        b_l, ln_l = _merge_lanes(a_l)
        b_h, ln_h = _merge_lanes(a_h)
        return _to_col(b_l, ln_l), _to_col(b_h, ln_h)

    return lax.cond(ok, fast, exact, None)


@functools.partial(
    pl.kernel,
    mesh=plsc.VectorSubcoreMesh(core_axis_name="c", subcore_axis_name="s"),
    out_type=jax.ShapeDtypeStruct((_NUM_WORKERS, 16), jnp.int32),
    scratch_types=[
        pltpu.VMEM((_PACKED_PER_WORKER, _COLS), jnp.int32),
        pltpu.VMEM((16,), jnp.int32),
        pltpu.SemaphoreType.DMA,
        pltpu.SemaphoreType.DMA,
        pltpu.SemaphoreType.DMA,
        pltpu.SemaphoreType.DMA,
    ],
)
def _sc_argmax(x_hbm, out_hbm, rows_v, res_v, sem0, sem1, sem2, sem3):
    wid = lax.axis_index("s") * _NUM_CORES + lax.axis_index("c")
    x32 = x_hbm.bitcast(jnp.int32)
    base = wid * _PACKED_PER_WORKER
    sems = (sem0, sem1, sem2, sem3)
    copies = []
    for c in range(4):
        rr, hh = divmod(c, 2)
        copies.append(
            pltpu.async_copy(
                x32.at[base + rr, pl.ds(hh * _HALF, _HALF)],
                rows_v.at[rr, pl.ds(hh * _HALF, _HALF)],
                sems[c],
            )
        )
    lane16 = lax.iota(jnp.int32, 16)
    res = jnp.zeros((16,), jnp.int32)
    acc0 = jnp.full((_LANES,), _INT32_MIN, jnp.int32)
    for rr in range(_PACKED_PER_WORKER):
        copies[2 * rr].wait()
        copies[2 * rr + 1].wait()
        a0, a1 = _scan_chunk2(rows_v, rr)
        acc = (jnp.maximum(a0[0], a1[0]), jnp.maximum(a0[1], a1[1]))
        idx_l, idx_h = _finish_row(rows_v, rr, *acc)
        res = jnp.where(lane16 == 2 * rr, idx_l, res)
        res = jnp.where(lane16 == 2 * rr + 1, idx_h, res)
    res_v[...] = res
    pltpu.sync_copy(res_v, out_hbm.at[wid])


def kernel(input_tensor, dim):
    del dim
    out = _sc_argmax(input_tensor)
    return out[:, : 2 * _PACKED_PER_WORKER].reshape(_ROWS).astype(jnp.int64)

# --- scband reference (transcript-rebuilt; emitter-appended) ---
"""Pipeline reference for scband-model-32452772888811 (READ-ONLY COPY).

The authoritative reference and input builder live on the scoring server;
editing this copy changes nothing except your own understanding.
"""

import jax, jax.numpy as jnp
import numpy as np


def setup_inputs(seed: int = 0) -> dict:
    key = jax.random.key(seed)
    k1, = jax.random.split(key, 1)
    input_tensor = jax.random.normal(k1, (128, 32768), dtype=jnp.float32).astype(jnp.float16)
    return {"input_tensor": input_tensor, "dim": 1}


def reference(input_tensor, dim):
    # Faithful translation of the Model.forward -> argmax(input_tensor, dim)
    # keepdim defaults to False, so the reduced dim is squeezed.
    out = jnp.argmax(input_tensor, axis=1).astype(jnp.int64) + (dim - dim)
    return out

if __name__ == "__main__":
    import jax
    _d = setup_inputs()
    print(jax.jit(kernel)(*tuple(_d.values())))

</pallas_src>

<mosaic_0001>
#map = affine_map<(d0, d1) -> (0, 0)>
module attributes {stable_mosaic.version = 14 : i64} {
  func.func @_sc_argmax(%arg0: i32, %arg1: i32, %arg2: memref<128x32768xf16, #tpu.memory_space<hbm>>, %arg3: memref<32x16xi32, #tpu.memory_space<hbm>>, %arg4: memref<2x32768xi32, #tpu.memory_space<vmem>>, %arg5: memref<16xi32, #tpu.memory_space<vmem>>, %arg6: memref<!tpu.dma_semaphore, #tpu.memory_space<semaphore_mem>>, %arg7: memref<!tpu.dma_semaphore, #tpu.memory_space<semaphore_mem>>, %arg8: memref<!tpu.dma_semaphore, #tpu.memory_space<semaphore_mem>>, %arg9: memref<!tpu.dma_semaphore, #tpu.memory_space<semaphore_mem>>) attributes {dimension_semantics = [#tpu.dimension_semantics<core_parallel>, #tpu.dimension_semantics<subcore_parallel>], iteration_bounds = array<i64: 2, 16>, scalar_prefetch = 0 : i64, scratch_operands = 6 : i64, tpu.core_type = #tpu.core_type<sc_vector_subcore>, window_params = [{transform_indices = #map}, {transform_indices = #map}]} {
    %mul3A = arith.constant 2 : i32
    %mul3A_0 = arith.muli %arg1, %mul3A : i32
    %add3A = arith.addi %mul3A_0, %arg0 : i32
    %mul3A_1 = arith.constant 2 : i32
    %mul3A_2 = arith.muli %add3A, %mul3A_1 : i32
    %add3A_3 = arith.constant 0 : i32
    %add3A_4 = arith.addi %mul3A_2, %add3A_3 : i32
    %dma_start3A = arith.constant 0 : i32
    %dma_start3A_5 = arith.constant 0 : i32
    %dma_start3A_6 = tpu.memref_slice %arg4[%dma_start3A, %dma_start3A_5] : memref<2x32768xi32, #tpu.memory_space<vmem>> -> memref<1x16384xi32, #tpu.memory_space<vmem>>
    %dma_start3A_7 = tpu.memref_squeeze %dma_start3A_6 : memref<1x16384xi32, #tpu.memory_space<vmem>> -> memref<16384xi32, #tpu.memory_space<vmem>>
    %dma_start3A_8 = tpu.memref_bitcast %arg2 : memref<128x32768xf16, #tpu.memory_space<hbm>> -> memref<64x32768xi32, #tpu.memory_space<hbm>>
    %dma_start3A_9 = arith.constant 0 : i32
    %dma_start3A_10 = tpu.memref_slice %dma_start3A_8[%add3A_4, %dma_start3A_9] : memref<64x32768xi32, #tpu.memory_space<hbm>> -> memref<1x16384xi32, #tpu.memory_space<hbm>>
    %dma_start3A_11 = tpu.memref_squeeze %dma_start3A_10 : memref<1x16384xi32, #tpu.memory_space<hbm>> -> memref<16384xi32, #tpu.memory_space<hbm>>
    %dma_start3A_12 = arith.constant 0 : i32
    %dma_start3A_13 = tpu.memref_slice %arg4[%dma_start3A, %dma_start3A_12] : memref<2x32768xi32, #tpu.memory_space<vmem>> -> memref<1x16384xi32, #tpu.memory_space<vmem>>
    %dma_start3A_14 = tpu.memref_squeeze %dma_start3A_13 : memref<1x16384xi32, #tpu.memory_space<vmem>> -> memref<16384xi32, #tpu.memory_space<vmem>>
    %dma_start3A_15 = tpu.memref_bitcast %arg2 : memref<128x32768xf16, #tpu.memory_space<hbm>> -> memref<64x32768xi32, #tpu.memory_space<hbm>>
    %dma_start3A_16 = arith.constant 0 : i32
    %dma_start3A_17 = tpu.memref_slice %dma_start3A_15[%add3A_4, %dma_start3A_16] : memref<64x32768xi32, #tpu.memory_space<hbm>> -> memref<1x16384xi32, #tpu.memory_space<hbm>>
    %dma_start3A_18 = tpu.memref_squeeze %dma_start3A_17 : memref<1x16384xi32, #tpu.memory_space<hbm>> -> memref<16384xi32, #tpu.memory_space<hbm>>
    tpu.enqueue_dma source(%dma_start3A_18 : memref<16384xi32, #tpu.memory_space<hbm>>) target(%dma_start3A_14 : memref<16384xi32, #tpu.memory_space<vmem>>) target_semaphore(%arg6 : memref<!tpu.dma_semaphore, #tpu.memory_space<semaphore_mem>>)
    %add3A_19 = arith.constant 0 : i32
    %add3A_20 = arith.addi %mul3A_2, %add3A_19 : i32
    %dma_start3A_21 = arith.constant 0 : i32
    %dma_start3A_22 = arith.constant 16384 : i32
    %dma_start3A_23 = tpu.memref_slice %arg4[%dma_start3A_21, %dma_start3A_22] : memref<2x32768xi32, #tpu.memory_space<vmem>> -> memref<1x16384xi32, #tpu.memory_space<vmem>>
    %dma_start3A_24 = tpu.memref_squeeze %dma_start3A_23 : memref<1x16384xi32, #tpu.memory_space<vmem>> -> memref<16384xi32, #tpu.memory_space<vmem>>
    %dma_start3A_25 = tpu.memref_bitcast %arg2 : memref<128x32768xf16, #tpu.memory_space<hbm>> -> memref<64x32768xi32, #tpu.memory_space<hbm>>
    %dma_start3A_26 = arith.constant 16384 : i32
    %dma_start3A_27 = tpu.memref_slice %dma_start3A_25[%add3A_20, %dma_start3A_26] : memref<64x32768xi32, #tpu.memory_space<hbm>> -> memref<1x16384xi32, #tpu.memory_space<hbm>>
    %dma_start3A_28 = tpu.memref_squeeze %dma_start3A_27 : memref<1x16384xi32, #tpu.memory_space<hbm>> -> memref<16384xi32, #tpu.memory_space<hbm>>
    %dma_start3A_29 = arith.constant 16384 : i32
    %dma_start3A_30 = tpu.memref_slice %arg4[%dma_start3A_21, %dma_start3A_29] : memref<2x32768xi32, #tpu.memory_space<vmem>> -> memref<1x16384xi32, #tpu.memory_space<vmem>>
    %dma_start3A_31 = tpu.memref_squeeze %dma_start3A_30 : memref<1x16384xi32, #tpu.memory_space<vmem>> -> memref<16384xi32, #tpu.memory_space<vmem>>
    %dma_start3A_32 = tpu.memref_bitcast %arg2 : memref<128x32768xf16, #tpu.memory_space<hbm>> -> memref<64x32768xi32, #tpu.memory_space<hbm>>
    %dma_start3A_33 = arith.constant 16384 : i32
    %dma_start3A_34 = tpu.memref_slice %dma_start3A_32[%add3A_20, %dma_start3A_33] : memref<64x32768xi32, #tpu.memory_space<hbm>> -> memref<1x16384xi32, #tpu.memory_space<hbm>>
    %dma_start3A_35 = tpu.memref_squeeze %dma_start3A_34 : memref<1x16384xi32, #tpu.memory_space<hbm>> -> memref<16384xi32, #tpu.memory_space<hbm>>
    tpu.enqueue_dma source(%dma_start3A_35 : memref<16384xi32, #tpu.memory_space<hbm>>) target(%dma_start3A_31 : memref<16384xi32, #tpu.memory_space<vmem>>) target_semaphore(%arg7 : memref<!tpu.dma_semaphore, #tpu.memory_space<semaphore_mem>>)
    %add3A_36 = arith.constant 1 : i32
    %add3A_37 = arith.addi %mul3A_2, %add3A_36 : i32
    %dma_start3A_38 = arith.constant 1 : i32
    %dma_start3A_39 = arith.constant 0 : i32
    %dma_start3A_40 = tpu.memref_slice %arg4[%dma_start3A_38, %dma_start3A_39] : memref<2x32768xi32, #tpu.memory_space<vmem>> -> memref<1x16384xi32, #tpu.memory_space<vmem>>
    %dma_start3A_41 = tpu.memref_squeeze %dma_start3A_40 : memref<1x16384xi32, #tpu.memory_space<vmem>> -> memref<16384xi32, #tpu.memory_space<vmem>>
    %dma_start3A_42 = tpu.memref_bitcast %arg2 : memref<128x32768xf16, #tpu.memory_space<hbm>> -> memref<64x32768xi32, #tpu.memory_space<hbm>>
    %dma_start3A_43 = arith.constant 0 : i32
    %dma_start3A_44 = tpu.memref_slice %dma_start3A_42[%add3A_37, %dma_start3A_43] : memref<64x32768xi32, #tpu.memory_space<hbm>> -> memref<1x16384xi32, #tpu.memory_space<hbm>>
    %dma_start3A_45 = tpu.memref_squeeze %dma_start3A_44 : memref<1x16384xi32, #tpu.memory_space<hbm>> -> memref<16384xi32, #tpu.memory_space<hbm>>
    %dma_start3A_46 = arith.constant 0 : i32
    %dma_start3A_47 = tpu.memref_slice %arg4[%dma_start3A_38, %dma_start3A_46] : memref<2x32768xi32, #tpu.memory_space<vmem>> -> memref<1x16384xi32, #tpu.memory_space<vmem>>
    %dma_start3A_48 = tpu.memref_squeeze %dma_start3A_47 : memref<1x16384xi32, #tpu.memory_space<vmem>> -> memref<16384xi32, #tpu.memory_space<vmem>>
    %dma_start3A_49 = tpu.memref_bitcast %arg2 : memref<128x32768xf16, #tpu.memory_space<hbm>> -> memref<64x32768xi32, #tpu.memory_space<hbm>>
    %dma_start3A_50 = arith.constant 0 : i32
    %dma_start3A_51 = tpu.memref_slice %dma_start3A_49[%add3A_37, %dma_start3A_50] : memref<64x32768xi32, #tpu.memory_space<hbm>> -> memref<1x16384xi32, #tpu.memory_space<hbm>>
    %dma_start3A_52 = tpu.memref_squeeze %dma_start3A_51 : memref<1x16384xi32, #tpu.memory_space<hbm>> -> memref<16384xi32, #tpu.memory_space<hbm>>
    tpu.enqueue_dma source(%dma_start3A_52 : memref<16384xi32, #tpu.memory_space<hbm>>) target(%dma_start3A_48 : memref<16384xi32, #tpu.memory_space<vmem>>) target_semaphore(%arg8 : memref<!tpu.dma_semaphore, #tpu.memory_space<semaphore_mem>>)
    %add3A_53 = arith.constant 1 : i32
    %add3A_54 = arith.addi %mul3A_2, %add3A_53 : i32
    %dma_start3A_55 = arith.constant 1 : i32
    %dma_start3A_56 = arith.constant 16384 : i32
    %dma_start3A_57 = tpu.memref_slice %arg4[%dma_start3A_55, %dma_start3A_56] : memref<2x32768xi32, #tpu.memory_space<vmem>> -> memref<1x16384xi32, #tpu.memory_space<vmem>>
    %dma_start3A_58 = tpu.memref_squeeze %dma_start3A_57 : memref<1x16384xi32, #tpu.memory_space<vmem>> -> memref<16384xi32, #tpu.memory_space<vmem>>
    %dma_start3A_59 = tpu.memref_bitcast %arg2 : memref<128x32768xf16, #tpu.memory_space<hbm>> -> memref<64x32768xi32, #tpu.memory_space<hbm>>
    %dma_start3A_60 = arith.constant 16384 : i32
    %dma_start3A_61 = tpu.memref_slice %dma_start3A_59[%add3A_54, %dma_start3A_60] : memref<64x32768xi32, #tpu.memory_space<hbm>> -> memref<1x16384xi32, #tpu.memory_space<hbm>>
    %dma_start3A_62 = tpu.memref_squeeze %dma_start3A_61 : memref<1x16384xi32, #tpu.memory_space<hbm>> -> memref<16384xi32, #tpu.memory_space<hbm>>
    %dma_start3A_63 = arith.constant 16384 : i32
    %dma_start3A_64 = tpu.memref_slice %arg4[%dma_start3A_55, %dma_start3A_63] : memref<2x32768xi32, #tpu.memory_space<vmem>> -> memref<1x16384xi32, #tpu.memory_space<vmem>>
    %dma_start3A_65 = tpu.memref_squeeze %dma_start3A_64 : memref<1x16384xi32, #tpu.memory_space<vmem>> -> memref<16384xi32, #tpu.memory_space<vmem>>
    %dma_start3A_66 = tpu.memref_bitcast %arg2 : memref<128x32768xf16, #tpu.memory_space<hbm>> -> memref<64x32768xi32, #tpu.memory_space<hbm>>
    %dma_start3A_67 = arith.constant 16384 : i32
    %dma_start3A_68 = tpu.memref_slice %dma_start3A_66[%add3A_54, %dma_start3A_67] : memref<64x32768xi32, #tpu.memory_space<hbm>> -> memref<1x16384xi32, #tpu.memory_space<hbm>>
    %dma_start3A_69 = tpu.memref_squeeze %dma_start3A_68 : memref<1x16384xi32, #tpu.memory_space<hbm>> -> memref<16384xi32, #tpu.memory_space<hbm>>
    tpu.enqueue_dma source(%dma_start3A_69 : memref<16384xi32, #tpu.memory_space<hbm>>) target(%dma_start3A_65 : memref<16384xi32, #tpu.memory_space<vmem>>) target_semaphore(%arg9 : memref<!tpu.dma_semaphore, #tpu.memory_space<semaphore_mem>>)
    %iota3A = tpu.iota {dimensions = array<i32: 0>} : vector<16xi32>
    %broadcast_in_dim3A = arith.constant 0 : i32
    %broadcast_in_dim3A_70 = vector.broadcast %broadcast_in_dim3A : i32 to vector<16xi32>
    %broadcast_in_dim3A_71 = arith.constant -2147483648 : i32
    %broadcast_in_dim3A_72 = vector.broadcast %broadcast_in_dim3A_71 : i32 to vector<16xi32>
    %dma_wait3A = arith.constant 0 : i32
    %dma_wait3A_73 = arith.constant 0 : i32
    %dma_wait3A_74 = tpu.memref_slice %arg4[%dma_wait3A, %dma_wait3A_73] : memref<2x32768xi32, #tpu.memory_space<vmem>> -> memref<1x16384xi32, #tpu.memory_space<vmem>>
    %dma_wait3A_75 = tpu.memref_squeeze %dma_wait3A_74 : memref<1x16384xi32, #tpu.memory_space<vmem>> -> memref<16384xi32, #tpu.memory_space<vmem>>
    %dma_wait3A_76 = tpu.memref_bitcast %arg2 : memref<128x32768xf16, #tpu.memory_space<hbm>> -> memref<64x32768xi32, #tpu.memory_space<hbm>>
    %dma_wait3A_77 = arith.constant 0 : i32
    %dma_wait3A_78 = tpu.memref_slice %dma_wait3A_76[%add3A_4, %dma_wait3A_77] : memref<64x32768xi32, #tpu.memory_space<hbm>> -> memref<1x16384xi32, #tpu.memory_space<hbm>>
    %dma_wait3A_79 = tpu.memref_squeeze %dma_wait3A_78 : memref<1x16384xi32, #tpu.memory_space<hbm>> -> memref<16384xi32, #tpu.memory_space<hbm>>
    %dma_wait3A_80 = arith.constant 0 : i32
    %dma_wait3A_81 = tpu.memref_slice %arg4[%dma_wait3A, %dma_wait3A_80] : memref<2x32768xi32, #tpu.memory_space<vmem>> -> memref<1x16384xi32, #tpu.memory_space<vmem>>
    %dma_wait3A_82 = tpu.memref_squeeze %dma_wait3A_81 : memref<1x16384xi32, #tpu.memory_space<vmem>> -> memref<16384xi32, #tpu.memory_space<vmem>>
    %dma_wait3A_83 = tpu.memref_bitcast %arg2 : memref<128x32768xf16, #tpu.memory_space<hbm>> -> memref<64x32768xi32, #tpu.memory_space<hbm>>
    %dma_wait3A_84 = arith.constant 0 : i32
    %dma_wait3A_85 = tpu.memref_slice %dma_wait3A_83[%add3A_4, %dma_wait3A_84] : memref<64x32768xi32, #tpu.memory_space<hbm>> -> memref<1x16384xi32, #tpu.memory_space<hbm>>
    %dma_wait3A_86 = tpu.memref_squeeze %dma_wait3A_85 : memref<1x16384xi32, #tpu.memory_space<hbm>> -> memref<16384xi32, #tpu.memory_space<hbm>>
    tpu.wait_dma2 semaphore(%arg6 : memref<!tpu.dma_semaphore, #tpu.memory_space<semaphore_mem>>) src(%dma_wait3A_86 : memref<16384xi32, #tpu.memory_space<hbm>>) dst(%dma_wait3A_82 : memref<16384xi32, #tpu.memory_space<vmem>>)
    %dma_wait3A_87 = arith.constant 0 : i32
    %dma_wait3A_88 = arith.constant 16384 : i32
    %dma_wait3A_89 = tpu.memref_slice %arg4[%dma_wait3A_87, %dma_wait3A_88] : memref<2x32768xi32, #tpu.memory_space<vmem>> -> memref<1x16384xi32, #tpu.memory_space<vmem>>
    %dma_wait3A_90 = tpu.memref_squeeze %dma_wait3A_89 : memref<1x16384xi32, #tpu.memory_space<vmem>> -> memref<16384xi32, #tpu.memory_space<vmem>>
    %dma_wait3A_91 = tpu.memref_bitcast %arg2 : memref<128x32768xf16, #tpu.memory_space<hbm>> -> memref<64x32768xi32, #tpu.memory_space<hbm>>
    %dma_wait3A_92 = arith.constant 16384 : i32
    %dma_wait3A_93 = tpu.memref_slice %dma_wait3A_91[%add3A_20, %dma_wait3A_92] : memref<64x32768xi32, #tpu.memory_space<hbm>> -> memref<1x16384xi32, #tpu.memory_space<hbm>>
    %dma_wait3A_94 = tpu.memref_squeeze %dma_wait3A_93 : memref<1x16384xi32, #tpu.memory_space<hbm>> -> memref<16384xi32, #tpu.memory_space<hbm>>
    %dma_wait3A_95 = arith.constant 16384 : i32
    %dma_wait3A_96 = tpu.memref_slice %arg4[%dma_wait3A_87, %dma_wait3A_95] : memref<2x32768xi32, #tpu.memory_space<vmem>> -> memref<1x16384xi32, #tpu.memory_space<vmem>>
    %dma_wait3A_97 = tpu.memref_squeeze %dma_wait3A_96 : memref<1x16384xi32, #tpu.memory_space<vmem>> -> memref<16384xi32, #tpu.memory_space<vmem>>
    %dma_wait3A_98 = tpu.memref_bitcast %arg2 : memref<128x32768xf16, #tpu.memory_space<hbm>> -> memref<64x32768xi32, #tpu.memory_space<hbm>>
    %dma_wait3A_99 = arith.constant 16384 : i32
    %dma_wait3A_100 = tpu.memref_slice %dma_wait3A_98[%add3A_20, %dma_wait3A_99] : memref<64x32768xi32, #tpu.memory_space<hbm>> -> memref<1x16384xi32, #tpu.memory_space<hbm>>
    %dma_wait3A_101 = tpu.memref_squeeze %dma_wait3A_100 : memref<1x16384xi32, #tpu.memory_space<hbm>> -> memref<16384xi32, #tpu.memory_space<hbm>>
    tpu.wait_dma2 semaphore(%arg7 : memref<!tpu.dma_semaphore, #tpu.memory_space<semaphore_mem>>) src(%dma_wait3A_101 : memref<16384xi32, #tpu.memory_space<hbm>>) dst(%dma_wait3A_97 : memref<16384xi32, #tpu.memory_space<vmem>>)
    %broadcast_in_dim3A_102 = arith.constant -2147483648 : i32
    %broadcast_in_dim3A_103 = vector.broadcast %broadcast_in_dim3A_102 : i32 to vector<16xi32>
    %broadcast_in_dim3A_104 = arith.constant 2047 : i32
    %broadcast_in_dim3A_105 = vector.broadcast %broadcast_in_dim3A_104 : i32 to vector<16xi32>
    %broadcast_in_dim3A_106 = arith.constant 1023 : i32
    %broadcast_in_dim3A_107 = vector.broadcast %broadcast_in_dim3A_106 : i32 to vector<16xi32>
    %scan3A = arith.constant 0 : i32
    %scan3A_108 = arith.constant 1024 : i32
    %scan3A_109 = arith.addi %scan3A, %scan3A_108 : i32
    %scan3A_110 = arith.constant 4 : i32
    %scan3A_111:6 = scf.for %scan3A_562 = %scan3A to %scan3A_109 step %scan3A_110 iter_args(%scan3A_563 = %broadcast_in_dim3A_103, %scan3A_564 = %broadcast_in_dim3A_103, %scan3A_565 = %broadcast_in_dim3A_105, %scan3A_566 = %broadcast_in_dim3A_103, %scan3A_567 = %broadcast_in_dim3A_103, %scan3A_568 = %broadcast_in_dim3A_107) -> (vector<16xi32>, vector<16xi32>, vector<16xi32>, vector<16xi32>, vector<16xi32>, vector<16xi32>)  : i32 {
      %mul3A_569 = arith.constant 16 : i32
      %mul3A_570 = arith.muli %scan3A_562, %mul3A_569 : i32
      %get3A = arith.constant 0 : i32
      %get3A_571 = arith.index_cast %get3A : i32 to index
      %get3A_572 = arith.index_cast %mul3A_570 : i32 to index
      %get3A_573 = tpu.vector_load %arg4[%get3A_571, %get3A_572] {strides = array<i32>} : memref<2x32768xi32, #tpu.memory_space<vmem>>, vector<1x16xi32>,
      %get3A_574 = vector.shape_cast %get3A_573 : vector<1x16xi32> to vector<16xi32>
      %mul3A_575 = arith.constant 16 : i32
      %mul3A_576 = arith.muli %scan3A_562, %mul3A_575 : i32
      %add3A_577 = arith.constant 16384 : i32
      %add3A_578 = arith.addi %add3A_577, %mul3A_576 : i32
      %get3A_579 = arith.constant 0 : i32
      %get3A_580 = arith.index_cast %get3A_579 : i32 to index
      %get3A_581 = arith.index_cast %add3A_578 : i32 to index
      %get3A_582 = tpu.vector_load %arg4[%get3A_580, %get3A_581] {strides = array<i32>} : memref<2x32768xi32, #tpu.memory_space<vmem>>, vector<1x16xi32>,
      %get3A_583 = vector.shape_cast %get3A_582 : vector<1x16xi32> to vector<16xi32>
      %shift_left3A = arith.constant 16 : i32
      %shift_left3A_584 = vector.broadcast %shift_left3A : i32 to vector<16xi32>
      %shift_left3A_585 = arith.shli %get3A_574, %shift_left3A_584 : vector<16xi32>
      %or3A = arith.ori %shift_left3A_585, %scan3A_565 : vector<16xi32>
      %max3A_586 = arith.maxsi %scan3A_563, %or3A : vector<16xi32>
      %and3A_587 = arith.constant -65536 : i32
      %and3A_588 = vector.broadcast %and3A_587 : i32 to vector<16xi32>
      %and3A_589 = arith.andi %get3A_574, %and3A_588 : vector<16xi32>
      %or3A_590 = arith.ori %and3A_589, %scan3A_565 : vector<16xi32>
      %max3A_591 = arith.maxsi %scan3A_564, %or3A_590 : vector<16xi32>
      %shift_left3A_592 = arith.constant 16 : i32
      %shift_left3A_593 = vector.broadcast %shift_left3A_592 : i32 to vector<16xi32>
      %shift_left3A_594 = arith.shli %get3A_583, %shift_left3A_593 : vector<16xi32>
      %or3A_595 = arith.ori %shift_left3A_594, %scan3A_568 : vector<16xi32>
      %max3A_596 = arith.maxsi %scan3A_566, %or3A_595 : vector<16xi32>
      %and3A_597 = arith.constant -65536 : i32
      %and3A_598 = vector.broadcast %and3A_597 : i32 to vector<16xi32>
      %and3A_599 = arith.andi %get3A_583, %and3A_598 : vector<16xi32>
      %or3A_600 = arith.ori %and3A_599, %scan3A_568 : vector<16xi32>
      %max3A_601 = arith.maxsi %scan3A_567, %or3A_600 : vector<16xi32>
      %sub3A = arith.constant 1 : i32
      %sub3A_602 = vector.broadcast %sub3A : i32 to vector<16xi32>
      %sub3A_603 = arith.subi %scan3A_565, %sub3A_602 : vector<16xi32>
      %sub3A_604 = arith.constant 1 : i32
      %sub3A_605 = vector.broadcast %sub3A_604 : i32 to vector<16xi32>
      %sub3A_606 = arith.subi %scan3A_568, %sub3A_605 : vector<16xi32>
      %scan3A_607 = arith.constant 1 : i32
      %scan3A_608 = arith.addi %scan3A_562, %scan3A_607 : i32
      %mul3A_609 = arith.constant 16 : i32
      %mul3A_610 = arith.muli %scan3A_608, %mul3A_609 : i32
      %get3A_611 = arith.constant 0 : i32
      %get3A_612 = arith.index_cast %get3A_611 : i32 to index
      %get3A_613 = arith.index_cast %mul3A_610 : i32 to index
      %get3A_614 = tpu.vector_load %arg4[%get3A_612, %get3A_613] {strides = array<i32>} : memref<2x32768xi32, #tpu.memory_space<vmem>>, vector<1x16xi32>,
      %get3A_615 = vector.shape_cast %get3A_614 : vector<1x16xi32> to vector<16xi32>
      %mul3A_616 = arith.constant 16 : i32
      %mul3A_617 = arith.muli %scan3A_608, %mul3A_616 : i32
      %add3A_618 = arith.constant 16384 : i32
      %add3A_619 = arith.addi %add3A_618, %mul3A_617 : i32
      %get3A_620 = arith.constant 0 : i32
      %get3A_621 = arith.index_cast %get3A_620 : i32 to index
      %get3A_622 = arith.index_cast %add3A_619 : i32 to index
      %get3A_623 = tpu.vector_load %arg4[%get3A_621, %get3A_622] {strides = array<i32>} : memref<2x32768xi32, #tpu.memory_space<vmem>>, vector<1x16xi32>,
      %get3A_624 = vector.shape_cast %get3A_623 : vector<1x16xi32> to vector<16xi32>
      %shift_left3A_625 = arith.constant 16 : i32
      %shift_left3A_626 = vector.broadcast %shift_left3A_625 : i32 to vector<16xi32>
      %shift_left3A_627 = arith.shli %get3A_615, %shift_left3A_626 : vector<16xi32>
      %or3A_628 = arith.ori %shift_left3A_627, %sub3A_603 : vector<16xi32>
      %max3A_629 = arith.maxsi %max3A_586, %or3A_628 : vector<16xi32>
      %and3A_630 = arith.constant -65536 : i32
      %and3A_631 = vector.broadcast %and3A_630 : i32 to vector<16xi32>
      %and3A_632 = arith.andi %get3A_615, %and3A_631 : vector<16xi32>
      %or3A_633 = arith.ori %and3A_632, %sub3A_603 : vector<16xi32>
      %max3A_634 = arith.maxsi %max3A_591, %or3A_633 : vector<16xi32>
      %shift_left3A_635 = arith.constant 16 : i32
      %shift_left3A_636 = vector.broadcast %shift_left3A_635 : i32 to vector<16xi32>
      %shift_left3A_637 = arith.shli %get3A_624, %shift_left3A_636 : vector<16xi32>
      %or3A_638 = arith.ori %shift_left3A_637, %sub3A_606 : vector<16xi32>
      %max3A_639 = arith.maxsi %max3A_596, %or3A_638 : vector<16xi32>
      %and3A_640 = arith.constant -65536 : i32
      %and3A_641 = vector.broadcast %and3A_640 : i32 to vector<16xi32>
      %and3A_642 = arith.andi %get3A_624, %and3A_641 : vector<16xi32>
      %or3A_643 = arith.ori %and3A_642, %sub3A_606 : vector<16xi32>
      %max3A_644 = arith.maxsi %max3A_601, %or3A_643 : vector<16xi32>
      %sub3A_645 = arith.constant 1 : i32
      %sub3A_646 = vector.broadcast %sub3A_645 : i32 to vector<16xi32>
      %sub3A_647 = arith.subi %sub3A_603, %sub3A_646 : vector<16xi32>
      %sub3A_648 = arith.constant 1 : i32
      %sub3A_649 = vector.broadcast %sub3A_648 : i32 to vector<16xi32>
      %sub3A_650 = arith.subi %sub3A_606, %sub3A_649 : vector<16xi32>
      %scan3A_651 = arith.constant 2 : i32
      %scan3A_652 = arith.addi %scan3A_562, %scan3A_651 : i32
      %mul3A_653 = arith.constant 16 : i32
      %mul3A_654 = arith.muli %scan3A_652, %mul3A_653 : i32
      %get3A_655 = arith.constant 0 : i32
      %get3A_656 = arith.index_cast %get3A_655 : i32 to index
      %get3A_657 = arith.index_cast %mul3A_654 : i32 to index
      %get3A_658 = tpu.vector_load %arg4[%get3A_656, %get3A_657] {strides = array<i32>} : memref<2x32768xi32, #tpu.memory_space<vmem>>, vector<1x16xi32>,
      %get3A_659 = vector.shape_cast %get3A_658 : vector<1x16xi32> to vector<16xi32>
      %mul3A_660 = arith.constant 16 : i32
      %mul3A_661 = arith.muli %scan3A_652, %mul3A_660 : i32
      %add3A_662 = arith.constant 16384 : i32
      %add3A_663 = arith.addi %add3A_662, %mul3A_661 : i32
      %get3A_664 = arith.constant 0 : i32
      %get3A_665 = arith.index_cast %get3A_664 : i32 to index
      %get3A_666 = arith.index_cast %add3A_663 : i32 to index
      %get3A_667 = tpu.vector_load %arg4[%get3A_665, %get3A_666] {strides = array<i32>} : memref<2x32768xi32, #tpu.memory_space<vmem>>, vector<1x16xi32>,
      %get3A_668 = vector.shape_cast %get3A_667 : vector<1x16xi32> to vector<16xi32>
      %shift_left3A_669 = arith.constant 16 : i32
      %shift_left3A_670 = vector.broadcast %shift_left3A_669 : i32 to vector<16xi32>
      %shift_left3A_671 = arith.shli %get3A_659, %shift_left3A_670 : vector<16xi32>
      %or3A_672 = arith.ori %shift_left3A_671, %sub3A_647 : vector<16xi32>
      %max3A_673 = arith.maxsi %max3A_629, %or3A_672 : vector<16xi32>
      %and3A_674 = arith.constant -65536 : i32
      %and3A_675 = vector.broadcast %and3A_674 : i32 to vector<16xi32>
      %and3A_676 = arith.andi %get3A_659, %and3A_675 : vector<16xi32>
      %or3A_677 = arith.ori %and3A_676, %sub3A_647 : vector<16xi32>
      %max3A_678 = arith.maxsi %max3A_634, %or3A_677 : vector<16xi32>
      %shift_left3A_679 = arith.constant 16 : i32
      %shift_left3A_680 = vector.broadcast %shift_left3A_679 : i32 to vector<16xi32>
      %shift_left3A_681 = arith.shli %get3A_668, %shift_left3A_680 : vector<16xi32>
      %or3A_682 = arith.ori %shift_left3A_681, %sub3A_650 : vector<16xi32>
      %max3A_683 = arith.maxsi %max3A_639, %or3A_682 : vector<16xi32>
      %and3A_684 = arith.constant -65536 : i32
      %and3A_685 = vector.broadcast %and3A_684 : i32 to vector<16xi32>
      %and3A_686 = arith.andi %get3A_668, %and3A_685 : vector<16xi32>
      %or3A_687 = arith.ori %and3A_686, %sub3A_650 : vector<16xi32>
      %max3A_688 = arith.maxsi %max3A_644, %or3A_687 : vector<16xi32>
      %sub3A_689 = arith.constant 1 : i32
      %sub3A_690 = vector.broadcast %sub3A_689 : i32 to vector<16xi32>
      %sub3A_691 = arith.subi %sub3A_647, %sub3A_690 : vector<16xi32>
      %sub3A_692 = arith.constant 1 : i32
      %sub3A_693 = vector.broadcast %sub3A_692 : i32 to vector<16xi32>
      %sub3A_694 = arith.subi %sub3A_650, %sub3A_693 : vector<16xi32>
      %scan3A_695 = arith.constant 3 : i32
      %scan3A_696 = arith.addi %scan3A_562, %scan3A_695 : i32
      %mul3A_697 = arith.constant 16 : i32
      %mul3A_698 = arith.muli %scan3A_696, %mul3A_697 : i32
      %get3A_699 = arith.constant 0 : i32
      %get3A_700 = arith.index_cast %get3A_699 : i32 to index
      %get3A_701 = arith.index_cast %mul3A_698 : i32 to index
      %get3A_702 = tpu.vector_load %arg4[%get3A_700, %get3A_701] {strides = array<i32>} : memref<2x32768xi32, #tpu.memory_space<vmem>>, vector<1x16xi32>,
      %get3A_703 = vector.shape_cast %get3A_702 : vector<1x16xi32> to vector<16xi32>
      %mul3A_704 = arith.constant 16 : i32
      %mul3A_705 = arith.muli %scan3A_696, %mul3A_704 : i32
      %add3A_706 = arith.constant 16384 : i32
      %add3A_707 = arith.addi %add3A_706, %mul3A_705 : i32
      %get3A_708 = arith.constant 0 : i32
      %get3A_709 = arith.index_cast %get3A_708 : i32 to index
      %get3A_710 = arith.index_cast %add3A_707 : i32 to index
      %get3A_711 = tpu.vector_load %arg4[%get3A_709, %get3A_710] {strides = array<i32>} : memref<2x32768xi32, #tpu.memory_space<vmem>>, vector<1x16xi32>,
      %get3A_712 = vector.shape_cast %get3A_711 : vector<1x16xi32> to vector<16xi32>
      %shift_left3A_713 = arith.constant 16 : i32
      %shift_left3A_714 = vector.broadcast %shift_left3A_713 : i32 to vector<16xi32>
      %shift_left3A_715 = arith.shli %get3A_703, %shift_left3A_714 : vector<16xi32>
      %or3A_716 = arith.ori %shift_left3A_715, %sub3A_691 : vector<16xi32>
      %max3A_717 = arith.maxsi %max3A_673, %or3A_716 : vector<16xi32>
      %and3A_718 = arith.constant -65536 : i32
      %and3A_719 = vector.broadcast %and3A_718 : i32 to vector<16xi32>
      %and3A_720 = arith.andi %get3A_703, %and3A_719 : vector<16xi32>
      %or3A_721 = arith.ori %and3A_720, %sub3A_691 : vector<16xi32>
      %max3A_722 = arith.maxsi %max3A_678, %or3A_721 : vector<16xi32>
      %shift_left3A_723 = arith.constant 16 : i32
      %shift_left3A_724 = vector.broadcast %shift_left3A_723 : i32 to vector<16xi32>
      %shift_left3A_725 = arith.shli %get3A_712, %shift_left3A_724 : vector<16xi32>
      %or3A_726 = arith.ori %shift_left3A_725, %sub3A_694 : vector<16xi32>
      %max3A_727 = arith.maxsi %max3A_683, %or3A_726 : vector<16xi32>
      %and3A_728 = arith.constant -65536 : i32
      %and3A_729 = vector.broadcast %and3A_728 : i32 to vector<16xi32>
      %and3A_730 = arith.andi %get3A_712, %and3A_729 : vector<16xi32>
      %or3A_731 = arith.ori %and3A_730, %sub3A_694 : vector<16xi32>
      %max3A_732 = arith.maxsi %max3A_688, %or3A_731 : vector<16xi32>
      %sub3A_733 = arith.constant 1 : i32
      %sub3A_734 = vector.broadcast %sub3A_733 : i32 to vector<16xi32>
      %sub3A_735 = arith.subi %sub3A_691, %sub3A_734 : vector<16xi32>
      %sub3A_736 = arith.constant 1 : i32
      %sub3A_737 = vector.broadcast %sub3A_736 : i32 to vector<16xi32>
      %sub3A_738 = arith.subi %sub3A_694, %sub3A_737 : vector<16xi32>
      scf.yield %max3A_717, %max3A_722, %sub3A_735, %max3A_727, %max3A_732, %sub3A_738 : vector<16xi32>, vector<16xi32>, vector<16xi32>, vector<16xi32>, vector<16xi32>, vector<16xi32>
    }
    %scan3A_112 = arith.constant 1024 : i32
    %max3A = arith.maxsi %scan3A_111#0, %scan3A_111#3 : vector<16xi32>
    %max3A_113 = arith.maxsi %scan3A_111#1, %scan3A_111#4 : vector<16xi32>
    %slice3A = vector.extract_strided_slice %max3A {offsets = [0], sizes = [1], strides = [1]} : vector<16xi32> to vector<1xi32>
    %squeeze3A = vector.extract %slice3A[0] : i32 from vector<1xi32>
    %slice3A_114 = vector.extract_strided_slice %max3A {offsets = [1], sizes = [1], strides = [1]} : vector<16xi32> to vector<1xi32>
    %squeeze3A_115 = vector.extract %slice3A_114[0] : i32 from vector<1xi32>
    %gt3A = arith.cmpi sgt, %squeeze3A_115, %squeeze3A : i32
    %select_n3A = arith.select %gt3A, %squeeze3A_115, %squeeze3A : i32
    %jit3A = arith.constant 1 : i32
    %jit3A_116 = arith.constant 0 : i32
    %select_n3A_117 = arith.select %gt3A, %jit3A, %jit3A_116 : i32
    %slice3A_118 = vector.extract_strided_slice %max3A {offsets = [2], sizes = [1], strides = [1]} : vector<16xi32> to vector<1xi32>
    %squeeze3A_119 = vector.extract %slice3A_118[0] : i32 from vector<1xi32>
    %gt3A_120 = arith.cmpi sgt, %squeeze3A_119, %select_n3A : i32
    %select_n3A_121 = arith.select %gt3A_120, %squeeze3A_119, %select_n3A : i32
    %jit3A_122 = arith.constant 2 : i32
    %select_n3A_123 = arith.select %gt3A_120, %jit3A_122, %select_n3A_117 : i32
    %slice3A_124 = vector.extract_strided_slice %max3A {offsets = [3], sizes = [1], strides = [1]} : vector<16xi32> to vector<1xi32>
    %squeeze3A_125 = vector.extract %slice3A_124[0] : i32 from vector<1xi32>
    %gt3A_126 = arith.cmpi sgt, %squeeze3A_125, %select_n3A_121 : i32
    %select_n3A_127 = arith.select %gt3A_126, %squeeze3A_125, %select_n3A_121 : i32
    %jit3A_128 = arith.constant 3 : i32
    %select_n3A_129 = arith.select %gt3A_126, %jit3A_128, %select_n3A_123 : i32
    %slice3A_130 = vector.extract_strided_slice %max3A {offsets = [4], sizes = [1], strides = [1]} : vector<16xi32> to vector<1xi32>
    %squeeze3A_131 = vector.extract %slice3A_130[0] : i32 from vector<1xi32>
    %gt3A_132 = arith.cmpi sgt, %squeeze3A_131, %select_n3A_127 : i32
    %select_n3A_133 = arith.select %gt3A_132, %squeeze3A_131, %select_n3A_127 : i32
    %jit3A_134 = arith.constant 4 : i32
    %select_n3A_135 = arith.select %gt3A_132, %jit3A_134, %select_n3A_129 : i32
    %slice3A_136 = vector.extract_strided_slice %max3A {offsets = [5], sizes = [1], strides = [1]} : vector<16xi32> to vector<1xi32>
    %squeeze3A_137 = vector.extract %slice3A_136[0] : i32 from vector<1xi32>
    %gt3A_138 = arith.cmpi sgt, %squeeze3A_137, %select_n3A_133 : i32
    %select_n3A_139 = arith.select %gt3A_138, %squeeze3A_137, %select_n3A_133 : i32
    %jit3A_140 = arith.constant 5 : i32
    %select_n3A_141 = arith.select %gt3A_138, %jit3A_140, %select_n3A_135 : i32
    %slice3A_142 = vector.extract_strided_slice %max3A {offsets = [6], sizes = [1], strides = [1]} : vector<16xi32> to vector<1xi32>
    %squeeze3A_143 = vector.extract %slice3A_142[0] : i32 from vector<1xi32>
    %gt3A_144 = arith.cmpi sgt, %squeeze3A_143, %select_n3A_139 : i32
    %select_n3A_145 = arith.select %gt3A_144, %squeeze3A_143, %select_n3A_139 : i32
    %jit3A_146 = arith.constant 6 : i32
    %select_n3A_147 = arith.select %gt3A_144, %jit3A_146, %select_n3A_141 : i32
    %slice3A_148 = vector.extract_strided_slice %max3A {offsets = [7], sizes = [1], strides = [1]} : vector<16xi32> to vector<1xi32>
    %squeeze3A_149 = vector.extract %slice3A_148[0] : i32 from vector<1xi32>
    %gt3A_150 = arith.cmpi sgt, %squeeze3A_149, %select_n3A_145 : i32
    %select_n3A_151 = arith.select %gt3A_150, %squeeze3A_149, %select_n3A_145 : i32
    %jit3A_152 = arith.constant 7 : i32
    %select_n3A_153 = arith.select %gt3A_150, %jit3A_152, %select_n3A_147 : i32
    %slice3A_154 = vector.extract_strided_slice %max3A {offsets = [8], sizes = [1], strides = [1]} : vector<16xi32> to vector<1xi32>
    %squeeze3A_155 = vector.extract %slice3A_154[0] : i32 from vector<1xi32>
    %gt3A_156 = arith.cmpi sgt, %squeeze3A_155, %select_n3A_151 : i32
    %select_n3A_157 = arith.select %gt3A_156, %squeeze3A_155, %select_n3A_151 : i32
    %jit3A_158 = arith.constant 8 : i32
    %select_n3A_159 = arith.select %gt3A_156, %jit3A_158, %select_n3A_153 : i32
    %slice3A_160 = vector.extract_strided_slice %max3A {offsets = [9], sizes = [1], strides = [1]} : vector<16xi32> to vector<1xi32>
    %squeeze3A_161 = vector.extract %slice3A_160[0] : i32 from vector<1xi32>
    %gt3A_162 = arith.cmpi sgt, %squeeze3A_161, %select_n3A_157 : i32
    %select_n3A_163 = arith.select %gt3A_162, %squeeze3A_161, %select_n3A_157 : i32
    %jit3A_164 = arith.constant 9 : i32
    %select_n3A_165 = arith.select %gt3A_162, %jit3A_164, %select_n3A_159 : i32
    %slice3A_166 = vector.extract_strided_slice %max3A {offsets = [10], sizes = [1], strides = [1]} : vector<16xi32> to vector<1xi32>
    %squeeze3A_167 = vector.extract %slice3A_166[0] : i32 from vector<1xi32>
    %gt3A_168 = arith.cmpi sgt, %squeeze3A_167, %select_n3A_163 : i32
    %select_n3A_169 = arith.select %gt3A_168, %squeeze3A_167, %select_n3A_163 : i32
    %jit3A_170 = arith.constant 10 : i32
    %select_n3A_171 = arith.select %gt3A_168, %jit3A_170, %select_n3A_165 : i32
    %slice3A_172 = vector.extract_strided_slice %max3A {offsets = [11], sizes = [1], strides = [1]} : vector<16xi32> to vector<1xi32>
    %squeeze3A_173 = vector.extract %slice3A_172[0] : i32 from vector<1xi32>
    %gt3A_174 = arith.cmpi sgt, %squeeze3A_173, %select_n3A_169 : i32
    %select_n3A_175 = arith.select %gt3A_174, %squeeze3A_173, %select_n3A_169 : i32
    %jit3A_176 = arith.constant 11 : i32
    %select_n3A_177 = arith.select %gt3A_174, %jit3A_176, %select_n3A_171 : i32
    %slice3A_178 = vector.extract_strided_slice %max3A {offsets = [12], sizes = [1], strides = [1]} : vector<16xi32> to vector<1xi32>
    %squeeze3A_179 = vector.extract %slice3A_178[0] : i32 from vector<1xi32>
    %gt3A_180 = arith.cmpi sgt, %squeeze3A_179, %select_n3A_175 : i32
    %select_n3A_181 = arith.select %gt3A_180, %squeeze3A_179, %select_n3A_175 : i32
    %jit3A_182 = arith.constant 12 : i32
    %select_n3A_183 = arith.select %gt3A_180, %jit3A_182, %select_n3A_177 : i32
    %slice3A_184 = vector.extract_strided_slice %max3A {offsets = [13], sizes = [1], strides = [1]} : vector<16xi32> to vector<1xi32>
    %squeeze3A_185 = vector.extract %slice3A_184[0] : i32 from vector<1xi32>
    %gt3A_186 = arith.cmpi sgt, %squeeze3A_185, %select_n3A_181 : i32
    %select_n3A_187 = arith.select %gt3A_186, %squeeze3A_185, %select_n3A_181 : i32
    %jit3A_188 = arith.constant 13 : i32
    %select_n3A_189 = arith.select %gt3A_186, %jit3A_188, %select_n3A_183 : i32
    %slice3A_190 = vector.extract_strided_slice %max3A {offsets = [14], sizes = [1], strides = [1]} : vector<16xi32> to vector<1xi32>
    %squeeze3A_191 = vector.extract %slice3A_190[0] : i32 from vector<1xi32>
    %gt3A_192 = arith.cmpi sgt, %squeeze3A_191, %select_n3A_187 : i32
    %select_n3A_193 = arith.select %gt3A_192, %squeeze3A_191, %select_n3A_187 : i32
    %jit3A_194 = arith.constant 14 : i32
    %select_n3A_195 = arith.select %gt3A_192, %jit3A_194, %select_n3A_189 : i32
    %slice3A_196 = vector.extract_strided_slice %max3A {offsets = [15], sizes = [1], strides = [1]} : vector<16xi32> to vector<1xi32>
    %squeeze3A_197 = vector.extract %slice3A_196[0] : i32 from vector<1xi32>
    %gt3A_198 = arith.cmpi sgt, %squeeze3A_197, %select_n3A_193 : i32
    %select_n3A_199 = arith.select %gt3A_198, %squeeze3A_197, %select_n3A_193 : i32
    %jit3A_200 = arith.constant 15 : i32
    %select_n3A_201 = arith.select %gt3A_198, %jit3A_200, %select_n3A_195 : i32
    %slice3A_202 = vector.extract_strided_slice %max3A_113 {offsets = [0], sizes = [1], strides = [1]} : vector<16xi32> to vector<1xi32>
    %squeeze3A_203 = vector.extract %slice3A_202[0] : i32 from vector<1xi32>
    %slice3A_204 = vector.extract_strided_slice %max3A_113 {offsets = [1], sizes = [1], strides = [1]} : vector<16xi32> to vector<1xi32>
    %squeeze3A_205 = vector.extract %slice3A_204[0] : i32 from vector<1xi32>
    %gt3A_206 = arith.cmpi sgt, %squeeze3A_205, %squeeze3A_203 : i32
    %select_n3A_207 = arith.select %gt3A_206, %squeeze3A_205, %squeeze3A_203 : i32
    %jit3A_208 = arith.constant 1 : i32
    %jit3A_209 = arith.constant 0 : i32
    %select_n3A_210 = arith.select %gt3A_206, %jit3A_208, %jit3A_209 : i32
    %slice3A_211 = vector.extract_strided_slice %max3A_113 {offsets = [2], sizes = [1], strides = [1]} : vector<16xi32> to vector<1xi32>
    %squeeze3A_212 = vector.extract %slice3A_211[0] : i32 from vector<1xi32>
    %gt3A_213 = arith.cmpi sgt, %squeeze3A_212, %select_n3A_207 : i32
    %select_n3A_214 = arith.select %gt3A_213, %squeeze3A_212, %select_n3A_207 : i32
    %jit3A_215 = arith.constant 2 : i32
    %select_n3A_216 = arith.select %gt3A_213, %jit3A_215, %select_n3A_210 : i32
    %slice3A_217 = vector.extract_strided_slice %max3A_113 {offsets = [3], sizes = [1], strides = [1]} : vector<16xi32> to vector<1xi32>
    %squeeze3A_218 = vector.extract %slice3A_217[0] : i32 from vector<1xi32>
    %gt3A_219 = arith.cmpi sgt, %squeeze3A_218, %select_n3A_214 : i32
    %select_n3A_220 = arith.select %gt3A_219, %squeeze3A_218, %select_n3A_214 : i32
    %jit3A_221 = arith.constant 3 : i32
    %select_n3A_222 = arith.select %gt3A_219, %jit3A_221, %select_n3A_216 : i32
    %slice3A_223 = vector.extract_strided_slice %max3A_113 {offsets = [4], sizes = [1], strides = [1]} : vector<16xi32> to vector<1xi32>
    %squeeze3A_224 = vector.extract %slice3A_223[0] : i32 from vector<1xi32>
    %gt3A_225 = arith.cmpi sgt, %squeeze3A_224, %select_n3A_220 : i32
    %select_n3A_226 = arith.select %gt3A_225, %squeeze3A_224, %select_n3A_220 : i32
    %jit3A_227 = arith.constant 4 : i32
    %select_n3A_228 = arith.select %gt3A_225, %jit3A_227, %select_n3A_222 : i32
    %slice3A_229 = vector.extract_strided_slice %max3A_113 {offsets = [5], sizes = [1], strides = [1]} : vector<16xi32> to vector<1xi32>
    %squeeze3A_230 = vector.extract %slice3A_229[0] : i32 from vector<1xi32>
    %gt3A_231 = arith.cmpi sgt, %squeeze3A_230, %select_n3A_226 : i32
    %select_n3A_232 = arith.select %gt3A_231, %squeeze3A_230, %select_n3A_226 : i32
    %jit3A_233 = arith.constant 5 : i32
    %select_n3A_234 = arith.select %gt3A_231, %jit3A_233, %select_n3A_228 : i32
    %slice3A_235 = vector.extract_strided_slice %max3A_113 {offsets = [6], sizes = [1], strides = [1]} : vector<16xi32> to vector<1xi32>
    %squeeze3A_236 = vector.extract %slice3A_235[0] : i32 from vector<1xi32>
    %gt3A_237 = arith.cmpi sgt, %squeeze3A_236, %select_n3A_232 : i32
    %select_n3A_238 = arith.select %gt3A_237, %squeeze3A_236, %select_n3A_232 : i32
    %jit3A_239 = arith.constant 6 : i32
    %select_n3A_240 = arith.select %gt3A_237, %jit3A_239, %select_n3A_234 : i32
    %slice3A_241 = vector.extract_strided_slice %max3A_113 {offsets = [7], sizes = [1], strides = [1]} : vector<16xi32> to vector<1xi32>
    %squeeze3A_242 = vector.extract %slice3A_241[0] : i32 from vector<1xi32>
    %gt3A_243 = arith.cmpi sgt, %squeeze3A_242, %select_n3A_238 : i32
    %select_n3A_244 = arith.select %gt3A_243, %squeeze3A_242, %select_n3A_238 : i32
    %jit3A_245 = arith.constant 7 : i32
    %select_n3A_246 = arith.select %gt3A_243, %jit3A_245, %select_n3A_240 : i32
    %slice3A_247 = vector.extract_strided_slice %max3A_113 {offsets = [8], sizes = [1], strides = [1]} : vector<16xi32> to vector<1xi32>
    %squeeze3A_248 = vector.extract %slice3A_247[0] : i32 from vector<1xi32>
    %gt3A_249 = arith.cmpi sgt, %squeeze3A_248, %select_n3A_244 : i32
    %select_n3A_250 = arith.select %gt3A_249, %squeeze3A_248, %select_n3A_244 : i32
    %jit3A_251 = arith.constant 8 : i32
    %select_n3A_252 = arith.select %gt3A_249, %jit3A_251, %select_n3A_246 : i32
    %slice3A_253 = vector.extract_strided_slice %max3A_113 {offsets = [9], sizes = [1], strides = [1]} : vector<16xi32> to vector<1xi32>
    %squeeze3A_254 = vector.extract %slice3A_253[0] : i32 from vector<1xi32>
    %gt3A_255 = arith.cmpi sgt, %squeeze3A_254, %select_n3A_250 : i32
    %select_n3A_256 = arith.select %gt3A_255, %squeeze3A_254, %select_n3A_250 : i32
    %jit3A_257 = arith.constant 9 : i32
    %select_n3A_258 = arith.select %gt3A_255, %jit3A_257, %select_n3A_252 : i32
    %slice3A_259 = vector.extract_strided_slice %max3A_113 {offsets = [10], sizes = [1], strides = [1]} : vector<16xi32> to vector<1xi32>
    %squeeze3A_260 = vector.extract %slice3A_259[0] : i32 from vector<1xi32>
    %gt3A_261 = arith.cmpi sgt, %squeeze3A_260, %select_n3A_256 : i32
    %select_n3A_262 = arith.select %gt3A_261, %squeeze3A_260, %select_n3A_256 : i32
    %jit3A_263 = arith.constant 10 : i32
    %select_n3A_264 = arith.select %gt3A_261, %jit3A_263, %select_n3A_258 : i32
    %slice3A_265 = vector.extract_strided_slice %max3A_113 {offsets = [11], sizes = [1], strides = [1]} : vector<16xi32> to vector<1xi32>
    %squeeze3A_266 = vector.extract %slice3A_265[0] : i32 from vector<1xi32>
    %gt3A_267 = arith.cmpi sgt, %squeeze3A_266, %select_n3A_262 : i32
    %select_n3A_268 = arith.select %gt3A_267, %squeeze3A_266, %select_n3A_262 : i32
    %jit3A_269 = arith.constant 11 : i32
    %select_n3A_270 = arith.select %gt3A_267, %jit3A_269, %select_n3A_264 : i32
    %slice3A_271 = vector.extract_strided_slice %max3A_113 {offsets = [12], sizes = [1], strides = [1]} : vector<16xi32> to vector<1xi32>
    %squeeze3A_272 = vector.extract %slice3A_271[0] : i32 from vector<1xi32>
    %gt3A_273 = arith.cmpi sgt, %squeeze3A_272, %select_n3A_268 : i32
    %select_n3A_274 = arith.select %gt3A_273, %squeeze3A_272, %select_n3A_268 : i32
    %jit3A_275 = arith.constant 12 : i32
    %select_n3A_276 = arith.select %gt3A_273, %jit3A_275, %select_n3A_270 : i32
    %slice3A_277 = vector.extract_strided_slice %max3A_113 {offsets = [13], sizes = [1], strides = [1]} : vector<16xi32> to vector<1xi32>
    %squeeze3A_278 = vector.extract %slice3A_277[0] : i32 from vector<1xi32>
    %gt3A_279 = arith.cmpi sgt, %squeeze3A_278, %select_n3A_274 : i32
    %select_n3A_280 = arith.select %gt3A_279, %squeeze3A_278, %select_n3A_274 : i32
    %jit3A_281 = arith.constant 13 : i32
    %select_n3A_282 = arith.select %gt3A_279, %jit3A_281, %select_n3A_276 : i32
    %slice3A_283 = vector.extract_strided_slice %max3A_113 {offsets = [14], sizes = [1], strides = [1]} : vector<16xi32> to vector<1xi32>
    %squeeze3A_284 = vector.extract %slice3A_283[0] : i32 from vector<1xi32>
    %gt3A_285 = arith.cmpi sgt, %squeeze3A_284, %select_n3A_280 : i32
    %select_n3A_286 = arith.select %gt3A_285, %squeeze3A_284, %select_n3A_280 : i32
    %jit3A_287 = arith.constant 14 : i32
    %select_n3A_288 = arith.select %gt3A_285, %jit3A_287, %select_n3A_282 : i32
    %slice3A_289 = vector.extract_strided_slice %max3A_113 {offsets = [15], sizes = [1], strides = [1]} : vector<16xi32> to vector<1xi32>
    %squeeze3A_290 = vector.extract %slice3A_289[0] : i32 from vector<1xi32>
    %gt3A_291 = arith.cmpi sgt, %squeeze3A_290, %select_n3A_286 : i32
    %select_n3A_292 = arith.select %gt3A_291, %squeeze3A_290, %select_n3A_286 : i32
    %jit3A_293 = arith.constant 15 : i32
    %select_n3A_294 = arith.select %gt3A_291, %jit3A_293, %select_n3A_288 : i32
    %gt3A_295 = arith.constant 65535 : i32
    %gt3A_296 = arith.cmpi sgt, %select_n3A_199, %gt3A_295 : i32
    %gt3A_297 = arith.constant 65535 : i32
    %gt3A_298 = arith.cmpi sgt, %select_n3A_292, %gt3A_297 : i32
    %and3A = arith.andi %gt3A_296, %gt3A_298 : i1
    %convert_element_type3A = arith.extui %and3A : i1 to i32
    %cond3A = arith.constant 0 : i32
    %cond3A_299 = arith.cmpi ne, %convert_element_type3A, %cond3A : i32
    %cond3A_300:2 = scf.if %cond3A_299 -> (i32, i32) {
      %and3A_562 = arith.constant 65535 : i32
      %and3A_563 = arith.andi %select_n3A_199, %and3A_562 : i32
      %sub3A = arith.constant 2047 : i32
      %sub3A_564 = arith.subi %sub3A, %and3A_563 : i32
      %mul3A_565 = arith.constant 16 : i32
      %mul3A_566 = arith.muli %sub3A_564, %mul3A_565 : i32
      %add3A_567 = arith.addi %mul3A_566, %select_n3A_201 : i32
      %and3A_568 = arith.constant 65535 : i32
      %and3A_569 = arith.andi %select_n3A_292, %and3A_568 : i32
      %sub3A_570 = arith.constant 2047 : i32
      %sub3A_571 = arith.subi %sub3A_570, %and3A_569 : i32
      %mul3A_572 = arith.constant 16 : i32
      %mul3A_573 = arith.muli %sub3A_571, %mul3A_572 : i32
      %add3A_574 = arith.addi %mul3A_573, %select_n3A_294 : i32
      scf.yield %add3A_567, %add3A_574 : i32, i32
    } else {
      %broadcast_in_dim3A_562 = arith.constant 2047 : i32
      %broadcast_in_dim3A_563 = vector.broadcast %broadcast_in_dim3A_562 : i32 to vector<16xi32>
      %broadcast_in_dim3A_564 = arith.constant -2147483648 : i32
      %broadcast_in_dim3A_565 = vector.broadcast %broadcast_in_dim3A_564 : i32 to vector<16xi32>
      %scan3A_566 = arith.constant 0 : i32
      %scan3A_567 = arith.constant 2048 : i32
      %scan3A_568 = arith.addi %scan3A_566, %scan3A_567 : i32
      %scan3A_569 = arith.constant 1 : i32
      %scan3A_570:3 = scf.for %scan3A_771 = %scan3A_566 to %scan3A_568 step %scan3A_569 iter_args(%scan3A_772 = %broadcast_in_dim3A_565, %scan3A_773 = %broadcast_in_dim3A_565, %scan3A_774 = %broadcast_in_dim3A_563) -> (vector<16xi32>, vector<16xi32>, vector<16xi32>)  : i32 {
        %mul3A_775 = arith.constant 16 : i32
        %mul3A_776 = arith.muli %scan3A_771, %mul3A_775 : i32
        %get3A = arith.constant 0 : i32
        %get3A_777 = arith.index_cast %get3A : i32 to index
        %get3A_778 = arith.index_cast %mul3A_776 : i32 to index
        %get3A_779 = tpu.vector_load %arg4[%get3A_777, %get3A_778] {strides = array<i32>} : memref<2x32768xi32, #tpu.memory_space<vmem>>, vector<1x16xi32>,
        %get3A_780 = vector.shape_cast %get3A_779 : vector<1x16xi32> to vector<16xi32>
        %and3A_781 = arith.constant -2147450880 : i32
        %and3A_782 = vector.broadcast %and3A_781 : i32 to vector<16xi32>
        %and3A_783 = arith.andi %get3A_780, %and3A_782 : vector<16xi32>
        %shift_right_arithmetic3A = arith.constant 15 : i32
        %shift_right_arithmetic3A_784 = vector.broadcast %shift_right_arithmetic3A : i32 to vector<16xi32>
        %shift_right_arithmetic3A_785 = arith.shrsi %get3A_780, %shift_right_arithmetic3A_784 : vector<16xi32>
        %and3A_786 = arith.constant 65537 : i32
        %and3A_787 = vector.broadcast %and3A_786 : i32 to vector<16xi32>
        %and3A_788 = arith.andi %shift_right_arithmetic3A_785, %and3A_787 : vector<16xi32>
        %sub3A_789 = arith.subi %and3A_783, %and3A_788 : vector<16xi32>
        %xor3A = arith.xori %get3A_780, %sub3A_789 : vector<16xi32>
        %shift_left3A = arith.constant 16 : i32
        %shift_left3A_790 = vector.broadcast %shift_left3A : i32 to vector<16xi32>
        %shift_left3A_791 = arith.shli %xor3A, %shift_left3A_790 : vector<16xi32>
        %or3A = arith.ori %shift_left3A_791, %scan3A_774 : vector<16xi32>
        %max3A_792 = arith.maxsi %scan3A_772, %or3A : vector<16xi32>
        %and3A_793 = arith.constant -65536 : i32
        %and3A_794 = vector.broadcast %and3A_793 : i32 to vector<16xi32>
        %and3A_795 = arith.andi %xor3A, %and3A_794 : vector<16xi32>
        %or3A_796 = arith.ori %and3A_795, %scan3A_774 : vector<16xi32>
        %max3A_797 = arith.maxsi %scan3A_773, %or3A_796 : vector<16xi32>
        %sub3A_798 = arith.constant 1 : i32
        %sub3A_799 = vector.broadcast %sub3A_798 : i32 to vector<16xi32>
        %sub3A_800 = arith.subi %scan3A_774, %sub3A_799 : vector<16xi32>
        scf.yield %max3A_792, %max3A_797, %sub3A_800 : vector<16xi32>, vector<16xi32>, vector<16xi32>
      }
      %scan3A_571 = arith.constant 2048 : i32
      %slice3A_572 = vector.extract_strided_slice %scan3A_570#0 {offsets = [0], sizes = [1], strides = [1]} : vector<16xi32> to vector<1xi32>
      %squeeze3A_573 = vector.extract %slice3A_572[0] : i32 from vector<1xi32>
      %slice3A_574 = vector.extract_strided_slice %scan3A_570#0 {offsets = [1], sizes = [1], strides = [1]} : vector<16xi32> to vector<1xi32>
      %squeeze3A_575 = vector.extract %slice3A_574[0] : i32 from vector<1xi32>
      %gt3A_576 = arith.cmpi sgt, %squeeze3A_575, %squeeze3A_573 : i32
      %select_n3A_577 = arith.select %gt3A_576, %squeeze3A_575, %squeeze3A_573 : i32
      %jit3A_578 = arith.constant 1 : i32
      %jit3A_579 = arith.constant 0 : i32
      %select_n3A_580 = arith.select %gt3A_576, %jit3A_578, %jit3A_579 : i32
      %slice3A_581 = vector.extract_strided_slice %scan3A_570#0 {offsets = [2], sizes = [1], strides = [1]} : vector<16xi32> to vector<1xi32>
      %squeeze3A_582 = vector.extract %slice3A_581[0] : i32 from vector<1xi32>
      %gt3A_583 = arith.cmpi sgt, %squeeze3A_582, %select_n3A_577 : i32
      %select_n3A_584 = arith.select %gt3A_583, %squeeze3A_582, %select_n3A_577 : i32
      %jit3A_585 = arith.constant 2 : i32
      %select_n3A_586 = arith.select %gt3A_583, %jit3A_585, %select_n3A_580 : i32
      %slice3A_587 = vector.extract_strided_slice %scan3A_570#0 {offsets = [3], sizes = [1], strides = [1]} : vector<16xi32> to vector<1xi32>
      %squeeze3A_588 = vector.extract %slice3A_587[0] : i32 from vector<1xi32>
      %gt3A_589 = arith.cmpi sgt, %squeeze3A_588, %select_n3A_584 : i32
      %select_n3A_590 = arith.select %gt3A_589, %squeeze3A_588, %select_n3A_584 : i32
      %jit3A_591 = arith.constant 3 : i32
      %select_n3A_592 = arith.select %gt3A_589, %jit3A_591, %select_n3A_586 : i32
      %slice3A_593 = vector.extract_strided_slice %scan3A_570#0 {offsets = [4], sizes = [1], strides = [1]} : vector<16xi32> to vector<1xi32>
      %squeeze3A_594 = vector.extract %slice3A_593[0] : i32 from vector<1xi32>
      %gt3A_595 = arith.cmpi sgt, %squeeze3A_594, %select_n3A_590 : i32
      %select_n3A_596 = arith.select %gt3A_595, %squeeze3A_594, %select_n3A_590 : i32
      %jit3A_597 = arith.constant 4 : i32
      %select_n3A_598 = arith.select %gt3A_595, %jit3A_597, %select_n3A_592 : i32
      %slice3A_599 = vector.extract_strided_slice %scan3A_570#0 {offsets = [5], sizes = [1], strides = [1]} : vector<16xi32> to vector<1xi32>
      %squeeze3A_600 = vector.extract %slice3A_599[0] : i32 from vector<1xi32>
      %gt3A_601 = arith.cmpi sgt, %squeeze3A_600, %select_n3A_596 : i32
      %select_n3A_602 = arith.select %gt3A_601, %squeeze3A_600, %select_n3A_596 : i32
      %jit3A_603 = arith.constant 5 : i32
      %select_n3A_604 = arith.select %gt3A_601, %jit3A_603, %select_n3A_598 : i32
      %slice3A_605 = vector.extract_strided_slice %scan3A_570#0 {offsets = [6], sizes = [1], strides = [1]} : vector<16xi32> to vector<1xi32>
      %squeeze3A_606 = vector.extract %slice3A_605[0] : i32 from vector<1xi32>
      %gt3A_607 = arith.cmpi sgt, %squeeze3A_606, %select_n3A_602 : i32
      %select_n3A_608 = arith.select %gt3A_607, %squeeze3A_606, %select_n3A_602 : i32
      %jit3A_609 = arith.constant 6 : i32
      %select_n3A_610 = arith.select %gt3A_607, %jit3A_609, %select_n3A_604 : i32
      %slice3A_611 = vector.extract_strided_slice %scan3A_570#0 {offsets = [7], sizes = [1], strides = [1]} : vector<16xi32> to vector<1xi32>
      %squeeze3A_612 = vector.extract %slice3A_611[0] : i32 from vector<1xi32>
      %gt3A_613 = arith.cmpi sgt, %squeeze3A_612, %select_n3A_608 : i32
      %select_n3A_614 = arith.select %gt3A_613, %squeeze3A_612, %select_n3A_608 : i32
      %jit3A_615 = arith.constant 7 : i32
      %select_n3A_616 = arith.select %gt3A_613, %jit3A_615, %select_n3A_610 : i32
      %slice3A_617 = vector.extract_strided_slice %scan3A_570#0 {offsets = [8], sizes = [1], strides = [1]} : vector<16xi32> to vector<1xi32>
      %squeeze3A_618 = vector.extract %slice3A_617[0] : i32 from vector<1xi32>
      %gt3A_619 = arith.cmpi sgt, %squeeze3A_618, %select_n3A_614 : i32
      %select_n3A_620 = arith.select %gt3A_619, %squeeze3A_618, %select_n3A_614 : i32
      %jit3A_621 = arith.constant 8 : i32
      %select_n3A_622 = arith.select %gt3A_619, %jit3A_621, %select_n3A_616 : i32
      %slice3A_623 = vector.extract_strided_slice %scan3A_570#0 {offsets = [9], sizes = [1], strides = [1]} : vector<16xi32> to vector<1xi32>
      %squeeze3A_624 = vector.extract %slice3A_623[0] : i32 from vector<1xi32>
      %gt3A_625 = arith.cmpi sgt, %squeeze3A_624, %select_n3A_620 : i32
      %select_n3A_626 = arith.select %gt3A_625, %squeeze3A_624, %select_n3A_620 : i32
      %jit3A_627 = arith.constant 9 : i32
      %select_n3A_628 = arith.select %gt3A_625, %jit3A_627, %select_n3A_622 : i32
      %slice3A_629 = vector.extract_strided_slice %scan3A_570#0 {offsets = [10], sizes = [1], strides = [1]} : vector<16xi32> to vector<1xi32>
      %squeeze3A_630 = vector.extract %slice3A_629[0] : i32 from vector<1xi32>
      %gt3A_631 = arith.cmpi sgt, %squeeze3A_630, %select_n3A_626 : i32
      %select_n3A_632 = arith.select %gt3A_631, %squeeze3A_630, %select_n3A_626 : i32
      %jit3A_633 = arith.constant 10 : i32
      %select_n3A_634 = arith.select %gt3A_631, %jit3A_633, %select_n3A_628 : i32
      %slice3A_635 = vector.extract_strided_slice %scan3A_570#0 {offsets = [11], sizes = [1], strides = [1]} : vector<16xi32> to vector<1xi32>
      %squeeze3A_636 = vector.extract %slice3A_635[0] : i32 from vector<1xi32>
      %gt3A_637 = arith.cmpi sgt, %squeeze3A_636, %select_n3A_632 : i32
      %select_n3A_638 = arith.select %gt3A_637, %squeeze3A_636, %select_n3A_632 : i32
      %jit3A_639 = arith.constant 11 : i32
      %select_n3A_640 = arith.select %gt3A_637, %jit3A_639, %select_n3A_634 : i32
      %slice3A_641 = vector.extract_strided_slice %scan3A_570#0 {offsets = [12], sizes = [1], strides = [1]} : vector<16xi32> to vector<1xi32>
      %squeeze3A_642 = vector.extract %slice3A_641[0] : i32 from vector<1xi32>
      %gt3A_643 = arith.cmpi sgt, %squeeze3A_642, %select_n3A_638 : i32
      %select_n3A_644 = arith.select %gt3A_643, %squeeze3A_642, %select_n3A_638 : i32
      %jit3A_645 = arith.constant 12 : i32
      %select_n3A_646 = arith.select %gt3A_643, %jit3A_645, %select_n3A_640 : i32
      %slice3A_647 = vector.extract_strided_slice %scan3A_570#0 {offsets = [13], sizes = [1], strides = [1]} : vector<16xi32> to vector<1xi32>
      %squeeze3A_648 = vector.extract %slice3A_647[0] : i32 from vector<1xi32>
      %gt3A_649 = arith.cmpi sgt, %squeeze3A_648, %select_n3A_644 : i32
      %select_n3A_650 = arith.select %gt3A_649, %squeeze3A_648, %select_n3A_644 : i32
      %jit3A_651 = arith.constant 13 : i32
      %select_n3A_652 = arith.select %gt3A_649, %jit3A_651, %select_n3A_646 : i32
      %slice3A_653 = vector.extract_strided_slice %scan3A_570#0 {offsets = [14], sizes = [1], strides = [1]} : vector<16xi32> to vector<1xi32>
      %squeeze3A_654 = vector.extract %slice3A_653[0] : i32 from vector<1xi32>
      %gt3A_655 = arith.cmpi sgt, %squeeze3A_654, %select_n3A_650 : i32
      %select_n3A_656 = arith.select %gt3A_655, %squeeze3A_654, %select_n3A_650 : i32
      %jit3A_657 = arith.constant 14 : i32
      %select_n3A_658 = arith.select %gt3A_655, %jit3A_657, %select_n3A_652 : i32
      %slice3A_659 = vector.extract_strided_slice %scan3A_570#0 {offsets = [15], sizes = [1], strides = [1]} : vector<16xi32> to vector<1xi32>
      %squeeze3A_660 = vector.extract %slice3A_659[0] : i32 from vector<1xi32>
      %gt3A_661 = arith.cmpi sgt, %squeeze3A_660, %select_n3A_656 : i32
      %select_n3A_662 = arith.select %gt3A_661, %squeeze3A_660, %select_n3A_656 : i32
      %jit3A_663 = arith.constant 15 : i32
      %select_n3A_664 = arith.select %gt3A_661, %jit3A_663, %select_n3A_658 : i32
      %slice3A_665 = vector.extract_strided_slice %scan3A_570#1 {offsets = [0], sizes = [1], strides = [1]} : vector<16xi32> to vector<1xi32>
      %squeeze3A_666 = vector.extract %slice3A_665[0] : i32 from vector<1xi32>
      %slice3A_667 = vector.extract_strided_slice %scan3A_570#1 {offsets = [1], sizes = [1], strides = [1]} : vector<16xi32> to vector<1xi32>
      %squeeze3A_668 = vector.extract %slice3A_667[0] : i32 from vector<1xi32>
      %gt3A_669 = arith.cmpi sgt, %squeeze3A_668, %squeeze3A_666 : i32
      %select_n3A_670 = arith.select %gt3A_669, %squeeze3A_668, %squeeze3A_666 : i32
      %jit3A_671 = arith.constant 1 : i32
      %jit3A_672 = arith.constant 0 : i32
      %select_n3A_673 = arith.select %gt3A_669, %jit3A_671, %jit3A_672 : i32
      %slice3A_674 = vector.extract_strided_slice %scan3A_570#1 {offsets = [2], sizes = [1], strides = [1]} : vector<16xi32> to vector<1xi32>
      %squeeze3A_675 = vector.extract %slice3A_674[0] : i32 from vector<1xi32>
      %gt3A_676 = arith.cmpi sgt, %squeeze3A_675, %select_n3A_670 : i32
      %select_n3A_677 = arith.select %gt3A_676, %squeeze3A_675, %select_n3A_670 : i32
      %jit3A_678 = arith.constant 2 : i32
      %select_n3A_679 = arith.select %gt3A_676, %jit3A_678, %select_n3A_673 : i32
      %slice3A_680 = vector.extract_strided_slice %scan3A_570#1 {offsets = [3], sizes = [1], strides = [1]} : vector<16xi32> to vector<1xi32>
      %squeeze3A_681 = vector.extract %slice3A_680[0] : i32 from vector<1xi32>
      %gt3A_682 = arith.cmpi sgt, %squeeze3A_681, %select_n3A_677 : i32
      %select_n3A_683 = arith.select %gt3A_682, %squeeze3A_681, %select_n3A_677 : i32
      %jit3A_684 = arith.constant 3 : i32
      %select_n3A_685 = arith.select %gt3A_682, %jit3A_684, %select_n3A_679 : i32
      %slice3A_686 = vector.extract_strided_slice %scan3A_570#1 {offsets = [4], sizes = [1], strides = [1]} : vector<16xi32> to vector<1xi32>
      %squeeze3A_687 = vector.extract %slice3A_686[0] : i32 from vector<1xi32>
      %gt3A_688 = arith.cmpi sgt, %squeeze3A_687, %select_n3A_683 : i32
      %select_n3A_689 = arith.select %gt3A_688, %squeeze3A_687, %select_n3A_683 : i32
      %jit3A_690 = arith.constant 4 : i32
      %select_n3A_691 = arith.select %gt3A_688, %jit3A_690, %select_n3A_685 : i32
      %slice3A_692 = vector.extract_strided_slice %scan3A_570#1 {offsets = [5], sizes = [1], strides = [1]} : vector<16xi32> to vector<1xi32>
      %squeeze3A_693 = vector.extract %slice3A_692[0] : i32 from vector<1xi32>
      %gt3A_694 = arith.cmpi sgt, %squeeze3A_693, %select_n3A_689 : i32
      %select_n3A_695 = arith.select %gt3A_694, %squeeze3A_693, %select_n3A_689 : i32
      %jit3A_696 = arith.constant 5 : i32
      %select_n3A_697 = arith.select %gt3A_694, %jit3A_696, %select_n3A_691 : i32
      %slice3A_698 = vector.extract_strided_slice %scan3A_570#1 {offsets = [6], sizes = [1], strides = [1]} : vector<16xi32> to vector<1xi32>
      %squeeze3A_699 = vector.extract %slice3A_698[0] : i32 from vector<1xi32>
      %gt3A_700 = arith.cmpi sgt, %squeeze3A_699, %select_n3A_695 : i32
      %select_n3A_701 = arith.select %gt3A_700, %squeeze3A_699, %select_n3A_695 : i32
      %jit3A_702 = arith.constant 6 : i32
      %select_n3A_703 = arith.select %gt3A_700, %jit3A_702, %select_n3A_697 : i32
      %slice3A_704 = vector.extract_strided_slice %scan3A_570#1 {offsets = [7], sizes = [1], strides = [1]} : vector<16xi32> to vector<1xi32>
      %squeeze3A_705 = vector.extract %slice3A_704[0] : i32 from vector<1xi32>
      %gt3A_706 = arith.cmpi sgt, %squeeze3A_705, %select_n3A_701 : i32
      %select_n3A_707 = arith.select %gt3A_706, %squeeze3A_705, %select_n3A_701 : i32
      %jit3A_708 = arith.constant 7 : i32
      %select_n3A_709 = arith.select %gt3A_706, %jit3A_708, %select_n3A_703 : i32
      %slice3A_710 = vector.extract_strided_slice %scan3A_570#1 {offsets = [8], sizes = [1], strides = [1]} : vector<16xi32> to vector<1xi32>
      %squeeze3A_711 = vector.extract %slice3A_710[0] : i32 from vector<1xi32>
      %gt3A_712 = arith.cmpi sgt, %squeeze3A_711, %select_n3A_707 : i32
      %select_n3A_713 = arith.select %gt3A_712, %squeeze3A_711, %select_n3A_707 : i32
      %jit3A_714 = arith.constant 8 : i32
      %select_n3A_715 = arith.select %gt3A_712, %jit3A_714, %select_n3A_709 : i32
      %slice3A_716 = vector.extract_strided_slice %scan3A_570#1 {offsets = [9], sizes = [1], strides = [1]} : vector<16xi32> to vector<1xi32>
      %squeeze3A_717 = vector.extract %slice3A_716[0] : i32 from vector<1xi32>
      %gt3A_718 = arith.cmpi sgt, %squeeze3A_717, %select_n3A_713 : i32
      %select_n3A_719 = arith.select %gt3A_718, %squeeze3A_717, %select_n3A_713 : i32
      %jit3A_720 = arith.constant 9 : i32
      %select_n3A_721 = arith.select %gt3A_718, %jit3A_720, %select_n3A_715 : i32
      %slice3A_722 = vector.extract_strided_slice %scan3A_570#1 {offsets = [10], sizes = [1], strides = [1]} : vector<16xi32> to vector<1xi32>
      %squeeze3A_723 = vector.extract %slice3A_722[0] : i32 from vector<1xi32>
      %gt3A_724 = arith.cmpi sgt, %squeeze3A_723, %select_n3A_719 : i32
      %select_n3A_725 = arith.select %gt3A_724, %squeeze3A_723, %select_n3A_719 : i32
      %jit3A_726 = arith.constant 10 : i32
      %select_n3A_727 = arith.select %gt3A_724, %jit3A_726, %select_n3A_721 : i32
      %slice3A_728 = vector.extract_strided_slice %scan3A_570#1 {offsets = [11], sizes = [1], strides = [1]} : vector<16xi32> to vector<1xi32>
      %squeeze3A_729 = vector.extract %slice3A_728[0] : i32 from vector<1xi32>
      %gt3A_730 = arith.cmpi sgt, %squeeze3A_729, %select_n3A_725 : i32
      %select_n3A_731 = arith.select %gt3A_730, %squeeze3A_729, %select_n3A_725 : i32
      %jit3A_732 = arith.constant 11 : i32
      %select_n3A_733 = arith.select %gt3A_730, %jit3A_732, %select_n3A_727 : i32
      %slice3A_734 = vector.extract_strided_slice %scan3A_570#1 {offsets = [12], sizes = [1], strides = [1]} : vector<16xi32> to vector<1xi32>
      %squeeze3A_735 = vector.extract %slice3A_734[0] : i32 from vector<1xi32>
      %gt3A_736 = arith.cmpi sgt, %squeeze3A_735, %select_n3A_731 : i32
      %select_n3A_737 = arith.select %gt3A_736, %squeeze3A_735, %select_n3A_731 : i32
      %jit3A_738 = arith.constant 12 : i32
      %select_n3A_739 = arith.select %gt3A_736, %jit3A_738, %select_n3A_733 : i32
      %slice3A_740 = vector.extract_strided_slice %scan3A_570#1 {offsets = [13], sizes = [1], strides = [1]} : vector<16xi32> to vector<1xi32>
      %squeeze3A_741 = vector.extract %slice3A_740[0] : i32 from vector<1xi32>
      %gt3A_742 = arith.cmpi sgt, %squeeze3A_741, %select_n3A_737 : i32
      %select_n3A_743 = arith.select %gt3A_742, %squeeze3A_741, %select_n3A_737 : i32
      %jit3A_744 = arith.constant 13 : i32
      %select_n3A_745 = arith.select %gt3A_742, %jit3A_744, %select_n3A_739 : i32
      %slice3A_746 = vector.extract_strided_slice %scan3A_570#1 {offsets = [14], sizes = [1], strides = [1]} : vector<16xi32> to vector<1xi32>
      %squeeze3A_747 = vector.extract %slice3A_746[0] : i32 from vector<1xi32>
      %gt3A_748 = arith.cmpi sgt, %squeeze3A_747, %select_n3A_743 : i32
      %select_n3A_749 = arith.select %gt3A_748, %squeeze3A_747, %select_n3A_743 : i32
      %jit3A_750 = arith.constant 14 : i32
      %select_n3A_751 = arith.select %gt3A_748, %jit3A_750, %select_n3A_745 : i32
      %slice3A_752 = vector.extract_strided_slice %scan3A_570#1 {offsets = [15], sizes = [1], strides = [1]} : vector<16xi32> to vector<1xi32>
      %squeeze3A_753 = vector.extract %slice3A_752[0] : i32 from vector<1xi32>
      %gt3A_754 = arith.cmpi sgt, %squeeze3A_753, %select_n3A_749 : i32
      %select_n3A_755 = arith.select %gt3A_754, %squeeze3A_753, %select_n3A_749 : i32
      %jit3A_756 = arith.constant 15 : i32
      %select_n3A_757 = arith.select %gt3A_754, %jit3A_756, %select_n3A_751 : i32
      %and3A_758 = arith.constant 65535 : i32
      %and3A_759 = arith.andi %select_n3A_662, %and3A_758 : i32
      %sub3A = arith.constant 2047 : i32
      %sub3A_760 = arith.subi %sub3A, %and3A_759 : i32
      %mul3A_761 = arith.constant 16 : i32
      %mul3A_762 = arith.muli %sub3A_760, %mul3A_761 : i32
      %add3A_763 = arith.addi %mul3A_762, %select_n3A_664 : i32
      %and3A_764 = arith.constant 65535 : i32
      %and3A_765 = arith.andi %select_n3A_755, %and3A_764 : i32
      %sub3A_766 = arith.constant 2047 : i32
      %sub3A_767 = arith.subi %sub3A_766, %and3A_765 : i32
      %mul3A_768 = arith.constant 16 : i32
      %mul3A_769 = arith.muli %sub3A_767, %mul3A_768 : i32
      %add3A_770 = arith.addi %mul3A_769, %select_n3A_757 : i32
      scf.yield %add3A_763, %add3A_770 : i32, i32
    }
    %eq3A = arith.constant 0 : i32
    %eq3A_301 = vector.broadcast %eq3A : i32 to vector<16xi32>
    %eq3A_302 = arith.cmpi eq, %iota3A, %eq3A_301 : vector<16xi32>
    %broadcast_in_dim3A_303 = vector.broadcast %cond3A_300#0 : i32 to vector<16xi32>
    %select_n3A_304 = arith.select %eq3A_302, %broadcast_in_dim3A_303, %broadcast_in_dim3A_70 : vector<16xi1>, vector<16xi32>
    %eq3A_305 = arith.constant 1 : i32
    %eq3A_306 = vector.broadcast %eq3A_305 : i32 to vector<16xi32>
    %eq3A_307 = arith.cmpi eq, %iota3A, %eq3A_306 : vector<16xi32>
    %broadcast_in_dim3A_308 = vector.broadcast %cond3A_300#1 : i32 to vector<16xi32>
    %select_n3A_309 = arith.select %eq3A_307, %broadcast_in_dim3A_308, %select_n3A_304 : vector<16xi1>, vector<16xi32>
    %dma_wait3A_310 = arith.constant 1 : i32
    %dma_wait3A_311 = arith.constant 0 : i32
    %dma_wait3A_312 = tpu.memref_slice %arg4[%dma_wait3A_310, %dma_wait3A_311] : memref<2x32768xi32, #tpu.memory_space<vmem>> -> memref<1x16384xi32, #tpu.memory_space<vmem>>
    %dma_wait3A_313 = tpu.memref_squeeze %dma_wait3A_312 : memref<1x16384xi32, #tpu.memory_space<vmem>> -> memref<16384xi32, #tpu.memory_space<vmem>>
    %dma_wait3A_314 = tpu.memref_bitcast %arg2 : memref<128x32768xf16, #tpu.memory_space<hbm>> -> memref<64x32768xi32, #tpu.memory_space<hbm>>
    %dma_wait3A_315 = arith.constant 0 : i32
    %dma_wait3A_316 = tpu.memref_slice %dma_wait3A_314[%add3A_37, %dma_wait3A_315] : memref<64x32768xi32, #tpu.memory_space<hbm>> -> memref<1x16384xi32, #tpu.memory_space<hbm>>
    %dma_wait3A_317 = tpu.memref_squeeze %dma_wait3A_316 : memref<1x16384xi32, #tpu.memory_space<hbm>> -> memref<16384xi32, #tpu.memory_space<hbm>>
    %dma_wait3A_318 = arith.constant 0 : i32
    %dma_wait3A_319 = tpu.memref_slice %arg4[%dma_wait3A_310, %dma_wait3A_318] : memref<2x32768xi32, #tpu.memory_space<vmem>> -> memref<1x16384xi32, #tpu.memory_space<vmem>>
    %dma_wait3A_320 = tpu.memref_squeeze %dma_wait3A_319 : memref<1x16384xi32, #tpu.memory_space<vmem>> -> memref<16384xi32, #tpu.memory_space<vmem>>
    %dma_wait3A_321 = tpu.memref_bitcast %arg2 : memref<128x32768xf16, #tpu.memory_space<hbm>> -> memref<64x32768xi32, #tpu.memory_space<hbm>>
    %dma_wait3A_322 = arith.constant 0 : i32
    %dma_wait3A_323 = tpu.memref_slice %dma_wait3A_321[%add3A_37, %dma_wait3A_322] : memref<64x32768xi32, #tpu.memory_space<hbm>> -> memref<1x16384xi32, #tpu.memory_space<hbm>>
    %dma_wait3A_324 = tpu.memref_squeeze %dma_wait3A_323 : memref<1x16384xi32, #tpu.memory_space<hbm>> -> memref<16384xi32, #tpu.memory_space<hbm>>
    tpu.wait_dma2 semaphore(%arg8 : memref<!tpu.dma_semaphore, #tpu.memory_space<semaphore_mem>>) src(%dma_wait3A_324 : memref<16384xi32, #tpu.memory_space<hbm>>) dst(%dma_wait3A_320 : memref<16384xi32, #tpu.memory_space<vmem>>)
    %dma_wait3A_325 = arith.constant 1 : i32
    %dma_wait3A_326 = arith.constant 16384 : i32
    %dma_wait3A_327 = tpu.memref_slice %arg4[%dma_wait3A_325, %dma_wait3A_326] : memref<2x32768xi32, #tpu.memory_space<vmem>> -> memref<1x16384xi32, #tpu.memory_space<vmem>>
    %dma_wait3A_328 = tpu.memref_squeeze %dma_wait3A_327 : memref<1x16384xi32, #tpu.memory_space<vmem>> -> memref<16384xi32, #tpu.memory_space<vmem>>
    %dma_wait3A_329 = tpu.memref_bitcast %arg2 : memref<128x32768xf16, #tpu.memory_space<hbm>> -> memref<64x32768xi32, #tpu.memory_space<hbm>>
    %dma_wait3A_330 = arith.constant 16384 : i32
    %dma_wait3A_331 = tpu.memref_slice %dma_wait3A_329[%add3A_54, %dma_wait3A_330] : memref<64x32768xi32, #tpu.memory_space<hbm>> -> memref<1x16384xi32, #tpu.memory_space<hbm>>
    %dma_wait3A_332 = tpu.memref_squeeze %dma_wait3A_331 : memref<1x16384xi32, #tpu.memory_space<hbm>> -> memref<16384xi32, #tpu.memory_space<hbm>>
    %dma_wait3A_333 = arith.constant 16384 : i32
    %dma_wait3A_334 = tpu.memref_slice %arg4[%dma_wait3A_325, %dma_wait3A_333] : memref<2x32768xi32, #tpu.memory_space<vmem>> -> memref<1x16384xi32, #tpu.memory_space<vmem>>
    %dma_wait3A_335 = tpu.memref_squeeze %dma_wait3A_334 : memref<1x16384xi32, #tpu.memory_space<vmem>> -> memref<16384xi32, #tpu.memory_space<vmem>>
    %dma_wait3A_336 = tpu.memref_bitcast %arg2 : memref<128x32768xf16, #tpu.memory_space<hbm>> -> memref<64x32768xi32, #tpu.memory_space<hbm>>
    %dma_wait3A_337 = arith.constant 16384 : i32
    %dma_wait3A_338 = tpu.memref_slice %dma_wait3A_336[%add3A_54, %dma_wait3A_337] : memref<64x32768xi32, #tpu.memory_space<hbm>> -> memref<1x16384xi32, #tpu.memory_space<hbm>>
    %dma_wait3A_339 = tpu.memref_squeeze %dma_wait3A_338 : memref<1x16384xi32, #tpu.memory_space<hbm>> -> memref<16384xi32, #tpu.memory_space<hbm>>
    tpu.wait_dma2 semaphore(%arg9 : memref<!tpu.dma_semaphore, #tpu.memory_space<semaphore_mem>>) src(%dma_wait3A_339 : memref<16384xi32, #tpu.memory_space<hbm>>) dst(%dma_wait3A_335 : memref<16384xi32, #tpu.memory_space<vmem>>)
    %broadcast_in_dim3A_340 = arith.constant -2147483648 : i32
    %broadcast_in_dim3A_341 = vector.broadcast %broadcast_in_dim3A_340 : i32 to vector<16xi32>
    %broadcast_in_dim3A_342 = arith.constant 2047 : i32
    %broadcast_in_dim3A_343 = vector.broadcast %broadcast_in_dim3A_342 : i32 to vector<16xi32>
    %broadcast_in_dim3A_344 = arith.constant 1023 : i32
    %broadcast_in_dim3A_345 = vector.broadcast %broadcast_in_dim3A_344 : i32 to vector<16xi32>
    %scan3A_346 = arith.constant 0 : i32
    %scan3A_347 = arith.constant 1024 : i32
    %scan3A_348 = arith.addi %scan3A_346, %scan3A_347 : i32
    %scan3A_349 = arith.constant 4 : i32
    %scan3A_350:6 = scf.for %scan3A_562 = %scan3A_346 to %scan3A_348 step %scan3A_349 iter_args(%scan3A_563 = %broadcast_in_dim3A_341, %scan3A_564 = %broadcast_in_dim3A_341, %scan3A_565 = %broadcast_in_dim3A_343, %scan3A_566 = %broadcast_in_dim3A_341, %scan3A_567 = %broadcast_in_dim3A_341, %scan3A_568 = %broadcast_in_dim3A_345) -> (vector<16xi32>, vector<16xi32>, vector<16xi32>, vector<16xi32>, vector<16xi32>, vector<16xi32>)  : i32 {
      %mul3A_569 = arith.constant 16 : i32
      %mul3A_570 = arith.muli %scan3A_562, %mul3A_569 : i32
      %get3A = arith.constant 1 : i32
      %get3A_571 = arith.index_cast %get3A : i32 to index
      %get3A_572 = arith.index_cast %mul3A_570 : i32 to index
      %get3A_573 = tpu.vector_load %arg4[%get3A_571, %get3A_572] {strides = array<i32>} : memref<2x32768xi32, #tpu.memory_space<vmem>>, vector<1x16xi32>,
      %get3A_574 = vector.shape_cast %get3A_573 : vector<1x16xi32> to vector<16xi32>
      %mul3A_575 = arith.constant 16 : i32
      %mul3A_576 = arith.muli %scan3A_562, %mul3A_575 : i32
      %add3A_577 = arith.constant 16384 : i32
      %add3A_578 = arith.addi %add3A_577, %mul3A_576 : i32
      %get3A_579 = arith.constant 1 : i32
      %get3A_580 = arith.index_cast %get3A_579 : i32 to index
      %get3A_581 = arith.index_cast %add3A_578 : i32 to index
      %get3A_582 = tpu.vector_load %arg4[%get3A_580, %get3A_581] {strides = array<i32>} : memref<2x32768xi32, #tpu.memory_space<vmem>>, vector<1x16xi32>,
      %get3A_583 = vector.shape_cast %get3A_582 : vector<1x16xi32> to vector<16xi32>
      %shift_left3A = arith.constant 16 : i32
      %shift_left3A_584 = vector.broadcast %shift_left3A : i32 to vector<16xi32>
      %shift_left3A_585 = arith.shli %get3A_574, %shift_left3A_584 : vector<16xi32>
      %or3A = arith.ori %shift_left3A_585, %scan3A_565 : vector<16xi32>
      %max3A_586 = arith.maxsi %scan3A_563, %or3A : vector<16xi32>
      %and3A_587 = arith.constant -65536 : i32
      %and3A_588 = vector.broadcast %and3A_587 : i32 to vector<16xi32>
      %and3A_589 = arith.andi %get3A_574, %and3A_588 : vector<16xi32>
      %or3A_590 = arith.ori %and3A_589, %scan3A_565 : vector<16xi32>
      %max3A_591 = arith.maxsi %scan3A_564, %or3A_590 : vector<16xi32>
      %shift_left3A_592 = arith.constant 16 : i32
      %shift_left3A_593 = vector.broadcast %shift_left3A_592 : i32 to vector<16xi32>
      %shift_left3A_594 = arith.shli %get3A_583, %shift_left3A_593 : vector<16xi32>
      %or3A_595 = arith.ori %shift_left3A_594, %scan3A_568 : vector<16xi32>
      %max3A_596 = arith.maxsi %scan3A_566, %or3A_595 : vector<16xi32>
      %and3A_597 = arith.constant -65536 : i32
      %and3A_598 = vector.broadcast %and3A_597 : i32 to vector<16xi32>
      %and3A_599 = arith.andi %get3A_583, %and3A_598 : vector<16xi32>
      %or3A_600 = arith.ori %and3A_599, %scan3A_568 : vector<16xi32>
      %max3A_601 = arith.maxsi %scan3A_567, %or3A_600 : vector<16xi32>
      %sub3A = arith.constant 1 : i32
      %sub3A_602 = vector.broadcast %sub3A : i32 to vector<16xi32>
      %sub3A_603 = arith.subi %scan3A_565, %sub3A_602 : vector<16xi32>
      %sub3A_604 = arith.constant 1 : i32
      %sub3A_605 = vector.broadcast %sub3A_604 : i32 to vector<16xi32>
      %sub3A_606 = arith.subi %scan3A_568, %sub3A_605 : vector<16xi32>
      %scan3A_607 = arith.constant 1 : i32
      %scan3A_608 = arith.addi %scan3A_562, %scan3A_607 : i32
      %mul3A_609 = arith.constant 16 : i32
      %mul3A_610 = arith.muli %scan3A_608, %mul3A_609 : i32
      %get3A_611 = arith.constant 1 : i32
      %get3A_612 = arith.index_cast %get3A_611 : i32 to index
      %get3A_613 = arith.index_cast %mul3A_610 : i32 to index
      %get3A_614 = tpu.vector_load %arg4[%get3A_612, %get3A_613] {strides = array<i32>} : memref<2x32768xi32, #tpu.memory_space<vmem>>, vector<1x16xi32>,
      %get3A_615 = vector.shape_cast %get3A_614 : vector<1x16xi32> to vector<16xi32>
      %mul3A_616 = arith.constant 16 : i32
      %mul3A_617 = arith.muli %scan3A_608, %mul3A_616 : i32
      %add3A_618 = arith.constant 16384 : i32
      %add3A_619 = arith.addi %add3A_618, %mul3A_617 : i32
      %get3A_620 = arith.constant 1 : i32
      %get3A_621 = arith.index_cast %get3A_620 : i32 to index
      %get3A_622 = arith.index_cast %add3A_619 : i32 to index
      %get3A_623 = tpu.vector_load %arg4[%get3A_621, %get3A_622] {strides = array<i32>} : memref<2x32768xi32, #tpu.memory_space<vmem>>, vector<1x16xi32>,
      %get3A_624 = vector.shape_cast %get3A_623 : vector<1x16xi32> to vector<16xi32>
      %shift_left3A_625 = arith.constant 16 : i32
      %shift_left3A_626 = vector.broadcast %shift_left3A_625 : i32 to vector<16xi32>
      %shift_left3A_627 = arith.shli %get3A_615, %shift_left3A_626 : vector<16xi32>
      %or3A_628 = arith.ori %shift_left3A_627, %sub3A_603 : vector<16xi32>
      %max3A_629 = arith.maxsi %max3A_586, %or3A_628 : vector<16xi32>
      %and3A_630 = arith.constant -65536 : i32
      %and3A_631 = vector.broadcast %and3A_630 : i32 to vector<16xi32>
      %and3A_632 = arith.andi %get3A_615, %and3A_631 : vector<16xi32>
      %or3A_633 = arith.ori %and3A_632, %sub3A_603 : vector<16xi32>
      %max3A_634 = arith.maxsi %max3A_591, %or3A_633 : vector<16xi32>
      %shift_left3A_635 = arith.constant 16 : i32
      %shift_left3A_636 = vector.broadcast %shift_left3A_635 : i32 to vector<16xi32>
      %shift_left3A_637 = arith.shli %get3A_624, %shift_left3A_636 : vector<16xi32>
      %or3A_638 = arith.ori %shift_left3A_637, %sub3A_606 : vector<16xi32>
      %max3A_639 = arith.maxsi %max3A_596, %or3A_638 : vector<16xi32>
      %and3A_640 = arith.constant -65536 : i32
      %and3A_641 = vector.broadcast %and3A_640 : i32 to vector<16xi32>
      %and3A_642 = arith.andi %get3A_624, %and3A_641 : vector<16xi32>
      %or3A_643 = arith.ori %and3A_642, %sub3A_606 : vector<16xi32>
      %max3A_644 = arith.maxsi %max3A_601, %or3A_643 : vector<16xi32>
      %sub3A_645 = arith.constant 1 : i32
      %sub3A_646 = vector.broadcast %sub3A_645 : i32 to vector<16xi32>
      %sub3A_647 = arith.subi %sub3A_603, %sub3A_646 : vector<16xi32>
      %sub3A_648 = arith.constant 1 : i32
      %sub3A_649 = vector.broadcast %sub3A_648 : i32 to vector<16xi32>
      %sub3A_650 = arith.subi %sub3A_606, %sub3A_649 : vector<16xi32>
      %scan3A_651 = arith.constant 2 : i32
      %scan3A_652 = arith.addi %scan3A_562, %scan3A_651 : i32
      %mul3A_653 = arith.constant 16 : i32
      %mul3A_654 = arith.muli %scan3A_652, %mul3A_653 : i32
      %get3A_655 = arith.constant 1 : i32
      %get3A_656 = arith.index_cast %get3A_655 : i32 to index
      %get3A_657 = arith.index_cast %mul3A_654 : i32 to index
      %get3A_658 = tpu.vector_load %arg4[%get3A_656, %get3A_657] {strides = array<i32>} : memref<2x32768xi32, #tpu.memory_space<vmem>>, vector<1x16xi32>,
      %get3A_659 = vector.shape_cast %get3A_658 : vector<1x16xi32> to vector<16xi32>
      %mul3A_660 = arith.constant 16 : i32
      %mul3A_661 = arith.muli %scan3A_652, %mul3A_660 : i32
      %add3A_662 = arith.constant 16384 : i32
      %add3A_663 = arith.addi %add3A_662, %mul3A_661 : i32
      %get3A_664 = arith.constant 1 : i32
      %get3A_665 = arith.index_cast %get3A_664 : i32 to index
      %get3A_666 = arith.index_cast %add3A_663 : i32 to index
      %get3A_667 = tpu.vector_load %arg4[%get3A_665, %get3A_666] {strides = array<i32>} : memref<2x32768xi32, #tpu.memory_space<vmem>>, vector<1x16xi32>,
      %get3A_668 = vector.shape_cast %get3A_667 : vector<1x16xi32> to vector<16xi32>
      %shift_left3A_669 = arith.constant 16 : i32
      %shift_left3A_670 = vector.broadcast %shift_left3A_669 : i32 to vector<16xi32>
      %shift_left3A_671 = arith.shli %get3A_659, %shift_left3A_670 : vector<16xi32>
      %or3A_672 = arith.ori %shift_left3A_671, %sub3A_647 : vector<16xi32>
      %max3A_673 = arith.maxsi %max3A_629, %or3A_672 : vector<16xi32>
      %and3A_674 = arith.constant -65536 : i32
      %and3A_675 = vector.broadcast %and3A_674 : i32 to vector<16xi32>
      %and3A_676 = arith.andi %get3A_659, %and3A_675 : vector<16xi32>
      %or3A_677 = arith.ori %and3A_676, %sub3A_647 : vector<16xi32>
      %max3A_678 = arith.maxsi %max3A_634, %or3A_677 : vector<16xi32>
      %shift_left3A_679 = arith.constant 16 : i32
      %shift_left3A_680 = vector.broadcast %shift_left3A_679 : i32 to vector<16xi32>
      %shift_left3A_681 = arith.shli %get3A_668, %shift_left3A_680 : vector<16xi32>
      %or3A_682 = arith.ori %shift_left3A_681, %sub3A_650 : vector<16xi32>
      %max3A_683 = arith.maxsi %max3A_639, %or3A_682 : vector<16xi32>
      %and3A_684 = arith.constant -65536 : i32
      %and3A_685 = vector.broadcast %and3A_684 : i32 to vector<16xi32>
      %and3A_686 = arith.andi %get3A_668, %and3A_685 : vector<16xi32>
      %or3A_687 = arith.ori %and3A_686, %sub3A_650 : vector<16xi32>
      %max3A_688 = arith.maxsi %max3A_644, %or3A_687 : vector<16xi32>
      %sub3A_689 = arith.constant 1 : i32
      %sub3A_690 = vector.broadcast %sub3A_689 : i32 to vector<16xi32>
      %sub3A_691 = arith.subi %sub3A_647, %sub3A_690 : vector<16xi32>
      %sub3A_692 = arith.constant 1 : i32
      %sub3A_693 = vector.broadcast %sub3A_692 : i32 to vector<16xi32>
      %sub3A_694 = arith.subi %sub3A_650, %sub3A_693 : vector<16xi32>
      %scan3A_695 = arith.constant 3 : i32
      %scan3A_696 = arith.addi %scan3A_562, %scan3A_695 : i32
      %mul3A_697 = arith.constant 16 : i32
      %mul3A_698 = arith.muli %scan3A_696, %mul3A_697 : i32
      %get3A_699 = arith.constant 1 : i32
      %get3A_700 = arith.index_cast %get3A_699 : i32 to index
      %get3A_701 = arith.index_cast %mul3A_698 : i32 to index
      %get3A_702 = tpu.vector_load %arg4[%get3A_700, %get3A_701] {strides = array<i32>} : memref<2x32768xi32, #tpu.memory_space<vmem>>, vector<1x16xi32>,
      %get3A_703 = vector.shape_cast %get3A_702 : vector<1x16xi32> to vector<16xi32>
      %mul3A_704 = arith.constant 16 : i32
      %mul3A_705 = arith.muli %scan3A_696, %mul3A_704 : i32
      %add3A_706 = arith.constant 16384 : i32
      %add3A_707 = arith.addi %add3A_706, %mul3A_705 : i32
      %get3A_708 = arith.constant 1 : i32
      %get3A_709 = arith.index_cast %get3A_708 : i32 to index
      %get3A_710 = arith.index_cast %add3A_707 : i32 to index
      %get3A_711 = tpu.vector_load %arg4[%get3A_709, %get3A_710] {strides = array<i32>} : memref<2x32768xi32, #tpu.memory_space<vmem>>, vector<1x16xi32>,
      %get3A_712 = vector.shape_cast %get3A_711 : vector<1x16xi32> to vector<16xi32>
      %shift_left3A_713 = arith.constant 16 : i32
      %shift_left3A_714 = vector.broadcast %shift_left3A_713 : i32 to vector<16xi32>
      %shift_left3A_715 = arith.shli %get3A_703, %shift_left3A_714 : vector<16xi32>
      %or3A_716 = arith.ori %shift_left3A_715, %sub3A_691 : vector<16xi32>
      %max3A_717 = arith.maxsi %max3A_673, %or3A_716 : vector<16xi32>
      %and3A_718 = arith.constant -65536 : i32
      %and3A_719 = vector.broadcast %and3A_718 : i32 to vector<16xi32>
      %and3A_720 = arith.andi %get3A_703, %and3A_719 : vector<16xi32>
      %or3A_721 = arith.ori %and3A_720, %sub3A_691 : vector<16xi32>
      %max3A_722 = arith.maxsi %max3A_678, %or3A_721 : vector<16xi32>
      %shift_left3A_723 = arith.constant 16 : i32
      %shift_left3A_724 = vector.broadcast %shift_left3A_723 : i32 to vector<16xi32>
      %shift_left3A_725 = arith.shli %get3A_712, %shift_left3A_724 : vector<16xi32>
      %or3A_726 = arith.ori %shift_left3A_725, %sub3A_694 : vector<16xi32>
      %max3A_727 = arith.maxsi %max3A_683, %or3A_726 : vector<16xi32>
      %and3A_728 = arith.constant -65536 : i32
      %and3A_729 = vector.broadcast %and3A_728 : i32 to vector<16xi32>
      %and3A_730 = arith.andi %get3A_712, %and3A_729 : vector<16xi32>
      %or3A_731 = arith.ori %and3A_730, %sub3A_694 : vector<16xi32>
      %max3A_732 = arith.maxsi %max3A_688, %or3A_731 : vector<16xi32>
      %sub3A_733 = arith.constant 1 : i32
      %sub3A_734 = vector.broadcast %sub3A_733 : i32 to vector<16xi32>
      %sub3A_735 = arith.subi %sub3A_691, %sub3A_734 : vector<16xi32>
      %sub3A_736 = arith.constant 1 : i32
      %sub3A_737 = vector.broadcast %sub3A_736 : i32 to vector<16xi32>
      %sub3A_738 = arith.subi %sub3A_694, %sub3A_737 : vector<16xi32>
      scf.yield %max3A_717, %max3A_722, %sub3A_735, %max3A_727, %max3A_732, %sub3A_738 : vector<16xi32>, vector<16xi32>, vector<16xi32>, vector<16xi32>, vector<16xi32>, vector<16xi32>
    }
    %scan3A_351 = arith.constant 1024 : i32
    %max3A_352 = arith.maxsi %scan3A_350#0, %scan3A_350#3 : vector<16xi32>
    %max3A_353 = arith.maxsi %scan3A_350#1, %scan3A_350#4 : vector<16xi32>
    %slice3A_354 = vector.extract_strided_slice %max3A_352 {offsets = [0], sizes = [1], strides = [1]} : vector<16xi32> to vector<1xi32>
    %squeeze3A_355 = vector.extract %slice3A_354[0] : i32 from vector<1xi32>
    %slice3A_356 = vector.extract_strided_slice %max3A_352 {offsets = [1], sizes = [1], strides = [1]} : vector<16xi32> to vector<1xi32>
    %squeeze3A_357 = vector.extract %slice3A_356[0] : i32 from vector<1xi32>
    %gt3A_358 = arith.cmpi sgt, %squeeze3A_357, %squeeze3A_355 : i32
    %select_n3A_359 = arith.select %gt3A_358, %squeeze3A_357, %squeeze3A_355 : i32
    %jit3A_360 = arith.constant 1 : i32
    %jit3A_361 = arith.constant 0 : i32
    %select_n3A_362 = arith.select %gt3A_358, %jit3A_360, %jit3A_361 : i32
    %slice3A_363 = vector.extract_strided_slice %max3A_352 {offsets = [2], sizes = [1], strides = [1]} : vector<16xi32> to vector<1xi32>
    %squeeze3A_364 = vector.extract %slice3A_363[0] : i32 from vector<1xi32>
    %gt3A_365 = arith.cmpi sgt, %squeeze3A_364, %select_n3A_359 : i32
    %select_n3A_366 = arith.select %gt3A_365, %squeeze3A_364, %select_n3A_359 : i32
    %jit3A_367 = arith.constant 2 : i32
    %select_n3A_368 = arith.select %gt3A_365, %jit3A_367, %select_n3A_362 : i32
    %slice3A_369 = vector.extract_strided_slice %max3A_352 {offsets = [3], sizes = [1], strides = [1]} : vector<16xi32> to vector<1xi32>
    %squeeze3A_370 = vector.extract %slice3A_369[0] : i32 from vector<1xi32>
    %gt3A_371 = arith.cmpi sgt, %squeeze3A_370, %select_n3A_366 : i32
    %select_n3A_372 = arith.select %gt3A_371, %squeeze3A_370, %select_n3A_366 : i32
    %jit3A_373 = arith.constant 3 : i32
    %select_n3A_374 = arith.select %gt3A_371, %jit3A_373, %select_n3A_368 : i32
    %slice3A_375 = vector.extract_strided_slice %max3A_352 {offsets = [4], sizes = [1], strides = [1]} : vector<16xi32> to vector<1xi32>
    %squeeze3A_376 = vector.extract %slice3A_375[0] : i32 from vector<1xi32>
    %gt3A_377 = arith.cmpi sgt, %squeeze3A_376, %select_n3A_372 : i32
    %select_n3A_378 = arith.select %gt3A_377, %squeeze3A_376, %select_n3A_372 : i32
    %jit3A_379 = arith.constant 4 : i32
    %select_n3A_380 = arith.select %gt3A_377, %jit3A_379, %select_n3A_374 : i32
    %slice3A_381 = vector.extract_strided_slice %max3A_352 {offsets = [5], sizes = [1], strides = [1]} : vector<16xi32> to vector<1xi32>
    %squeeze3A_382 = vector.extract %slice3A_381[0] : i32 from vector<1xi32>
    %gt3A_383 = arith.cmpi sgt, %squeeze3A_382, %select_n3A_378 : i32
    %select_n3A_384 = arith.select %gt3A_383, %squeeze3A_382, %select_n3A_378 : i32
    %jit3A_385 = arith.constant 5 : i32
    %select_n3A_386 = arith.select %gt3A_383, %jit3A_385, %select_n3A_380 : i32
    %slice3A_387 = vector.extract_strided_slice %max3A_352 {offsets = [6], sizes = [1], strides = [1]} : vector<16xi32> to vector<1xi32>
    %squeeze3A_388 = vector.extract %slice3A_387[0] : i32 from vector<1xi32>
    %gt3A_389 = arith.cmpi sgt, %squeeze3A_388, %select_n3A_384 : i32
    %select_n3A_390 = arith.select %gt3A_389, %squeeze3A_388, %select_n3A_384 : i32
    %jit3A_391 = arith.constant 6 : i32
    %select_n3A_392 = arith.select %gt3A_389, %jit3A_391, %select_n3A_386 : i32
    %slice3A_393 = vector.extract_strided_slice %max3A_352 {offsets = [7], sizes = [1], strides = [1]} : vector<16xi32> to vector<1xi32>
    %squeeze3A_394 = vector.extract %slice3A_393[0] : i32 from vector<1xi32>
    %gt3A_395 = arith.cmpi sgt, %squeeze3A_394, %select_n3A_390 : i32
    %select_n3A_396 = arith.select %gt3A_395, %squeeze3A_394, %select_n3A_390 : i32
    %jit3A_397 = arith.constant 7 : i32
    %select_n3A_398 = arith.select %gt3A_395, %jit3A_397, %select_n3A_392 : i32
    %slice3A_399 = vector.extract_strided_slice %max3A_352 {offsets = [8], sizes = [1], strides = [1]} : vector<16xi32> to vector<1xi32>
    %squeeze3A_400 = vector.extract %slice3A_399[0] : i32 from vector<1xi32>
    %gt3A_401 = arith.cmpi sgt, %squeeze3A_400, %select_n3A_396 : i32
    %select_n3A_402 = arith.select %gt3A_401, %squeeze3A_400, %select_n3A_396 : i32
    %jit3A_403 = arith.constant 8 : i32
    %select_n3A_404 = arith.select %gt3A_401, %jit3A_403, %select_n3A_398 : i32
    %slice3A_405 = vector.extract_strided_slice %max3A_352 {offsets = [9], sizes = [1], strides = [1]} : vector<16xi32> to vector<1xi32>
    %squeeze3A_406 = vector.extract %slice3A_405[0] : i32 from vector<1xi32>
    %gt3A_407 = arith.cmpi sgt, %squeeze3A_406, %select_n3A_402 : i32
    %select_n3A_408 = arith.select %gt3A_407, %squeeze3A_406, %select_n3A_402 : i32
    %jit3A_409 = arith.constant 9 : i32
    %select_n3A_410 = arith.select %gt3A_407, %jit3A_409, %select_n3A_404 : i32
    %slice3A_411 = vector.extract_strided_slice %max3A_352 {offsets = [10], sizes = [1], strides = [1]} : vector<16xi32> to vector<1xi32>
    %squeeze3A_412 = vector.extract %slice3A_411[0] : i32 from vector<1xi32>
    %gt3A_413 = arith.cmpi sgt, %squeeze3A_412, %select_n3A_408 : i32
    %select_n3A_414 = arith.select %gt3A_413, %squeeze3A_412, %select_n3A_408 : i32
    %jit3A_415 = arith.constant 10 : i32
    %select_n3A_416 = arith.select %gt3A_413, %jit3A_415, %select_n3A_410 : i32
    %slice3A_417 = vector.extract_strided_slice %max3A_352 {offsets = [11], sizes = [1], strides = [1]} : vector<16xi32> to vector<1xi32>
    %squeeze3A_418 = vector.extract %slice3A_417[0] : i32 from vector<1xi32>
    %gt3A_419 = arith.cmpi sgt, %squeeze3A_418, %select_n3A_414 : i32
    %select_n3A_420 = arith.select %gt3A_419, %squeeze3A_418, %select_n3A_414 : i32
    %jit3A_421 = arith.constant 11 : i32
    %select_n3A_422 = arith.select %gt3A_419, %jit3A_421, %select_n3A_416 : i32
    %slice3A_423 = vector.extract_strided_slice %max3A_352 {offsets = [12], sizes = [1], strides = [1]} : vector<16xi32> to vector<1xi32>
    %squeeze3A_424 = vector.extract %slice3A_423[0] : i32 from vector<1xi32>
    %gt3A_425 = arith.cmpi sgt, %squeeze3A_424, %select_n3A_420 : i32
    %select_n3A_426 = arith.select %gt3A_425, %squeeze3A_424, %select_n3A_420 : i32
    %jit3A_427 = arith.constant 12 : i32
    %select_n3A_428 = arith.select %gt3A_425, %jit3A_427, %select_n3A_422 : i32
    %slice3A_429 = vector.extract_strided_slice %max3A_352 {offsets = [13], sizes = [1], strides = [1]} : vector<16xi32> to vector<1xi32>
    %squeeze3A_430 = vector.extract %slice3A_429[0] : i32 from vector<1xi32>
    %gt3A_431 = arith.cmpi sgt, %squeeze3A_430, %select_n3A_426 : i32
    %select_n3A_432 = arith.select %gt3A_431, %squeeze3A_430, %select_n3A_426 : i32
    %jit3A_433 = arith.constant 13 : i32
    %select_n3A_434 = arith.select %gt3A_431, %jit3A_433, %select_n3A_428 : i32
    %slice3A_435 = vector.extract_strided_slice %max3A_352 {offsets = [14], sizes = [1], strides = [1]} : vector<16xi32> to vector<1xi32>
    %squeeze3A_436 = vector.extract %slice3A_435[0] : i32 from vector<1xi32>
    %gt3A_437 = arith.cmpi sgt, %squeeze3A_436, %select_n3A_432 : i32
    %select_n3A_438 = arith.select %gt3A_437, %squeeze3A_436, %select_n3A_432 : i32
    %jit3A_439 = arith.constant 14 : i32
    %select_n3A_440 = arith.select %gt3A_437, %jit3A_439, %select_n3A_434 : i32
    %slice3A_441 = vector.extract_strided_slice %max3A_352 {offsets = [15], sizes = [1], strides = [1]} : vector<16xi32> to vector<1xi32>
    %squeeze3A_442 = vector.extract %slice3A_441[0] : i32 from vector<1xi32>
    %gt3A_443 = arith.cmpi sgt, %squeeze3A_442, %select_n3A_438 : i32
    %select_n3A_444 = arith.select %gt3A_443, %squeeze3A_442, %select_n3A_438 : i32
    %jit3A_445 = arith.constant 15 : i32
    %select_n3A_446 = arith.select %gt3A_443, %jit3A_445, %select_n3A_440 : i32
    %slice3A_447 = vector.extract_strided_slice %max3A_353 {offsets = [0], sizes = [1], strides = [1]} : vector<16xi32> to vector<1xi32>
    %squeeze3A_448 = vector.extract %slice3A_447[0] : i32 from vector<1xi32>
    %slice3A_449 = vector.extract_strided_slice %max3A_353 {offsets = [1], sizes = [1], strides = [1]} : vector<16xi32> to vector<1xi32>
    %squeeze3A_450 = vector.extract %slice3A_449[0] : i32 from vector<1xi32>
    %gt3A_451 = arith.cmpi sgt, %squeeze3A_450, %squeeze3A_448 : i32
    %select_n3A_452 = arith.select %gt3A_451, %squeeze3A_450, %squeeze3A_448 : i32
    %jit3A_453 = arith.constant 1 : i32
    %jit3A_454 = arith.constant 0 : i32
    %select_n3A_455 = arith.select %gt3A_451, %jit3A_453, %jit3A_454 : i32
    %slice3A_456 = vector.extract_strided_slice %max3A_353 {offsets = [2], sizes = [1], strides = [1]} : vector<16xi32> to vector<1xi32>
    %squeeze3A_457 = vector.extract %slice3A_456[0] : i32 from vector<1xi32>
    %gt3A_458 = arith.cmpi sgt, %squeeze3A_457, %select_n3A_452 : i32
    %select_n3A_459 = arith.select %gt3A_458, %squeeze3A_457, %select_n3A_452 : i32
    %jit3A_460 = arith.constant 2 : i32
    %select_n3A_461 = arith.select %gt3A_458, %jit3A_460, %select_n3A_455 : i32
    %slice3A_462 = vector.extract_strided_slice %max3A_353 {offsets = [3], sizes = [1], strides = [1]} : vector<16xi32> to vector<1xi32>
    %squeeze3A_463 = vector.extract %slice3A_462[0] : i32 from vector<1xi32>
    %gt3A_464 = arith.cmpi sgt, %squeeze3A_463, %select_n3A_459 : i32
    %select_n3A_465 = arith.select %gt3A_464, %squeeze3A_463, %select_n3A_459 : i32
    %jit3A_466 = arith.constant 3 : i32
    %select_n3A_467 = arith.select %gt3A_464, %jit3A_466, %select_n3A_461 : i32
    %slice3A_468 = vector.extract_strided_slice %max3A_353 {offsets = [4], sizes = [1], strides = [1]} : vector<16xi32> to vector<1xi32>
    %squeeze3A_469 = vector.extract %slice3A_468[0] : i32 from vector<1xi32>
    %gt3A_470 = arith.cmpi sgt, %squeeze3A_469, %select_n3A_465 : i32
    %select_n3A_471 = arith.select %gt3A_470, %squeeze3A_469, %select_n3A_465 : i32
    %jit3A_472 = arith.constant 4 : i32
    %select_n3A_473 = arith.select %gt3A_470, %jit3A_472, %select_n3A_467 : i32
    %slice3A_474 = vector.extract_strided_slice %max3A_353 {offsets = [5], sizes = [1], strides = [1]} : vector<16xi32> to vector<1xi32>
    %squeeze3A_475 = vector.extract %slice3A_474[0] : i32 from vector<1xi32>
    %gt3A_476 = arith.cmpi sgt, %squeeze3A_475, %select_n3A_471 : i32
    %select_n3A_477 = arith.select %gt3A_476, %squeeze3A_475, %select_n3A_471 : i32
    %jit3A_478 = arith.constant 5 : i32
    %select_n3A_479 = arith.select %gt3A_476, %jit3A_478, %select_n3A_473 : i32
    %slice3A_480 = vector.extract_strided_slice %max3A_353 {offsets = [6], sizes = [1], strides = [1]} : vector<16xi32> to vector<1xi32>
    %squeeze3A_481 = vector.extract %slice3A_480[0] : i32 from vector<1xi32>
    %gt3A_482 = arith.cmpi sgt, %squeeze3A_481, %select_n3A_477 : i32
    %select_n3A_483 = arith.select %gt3A_482, %squeeze3A_481, %select_n3A_477 : i32
    %jit3A_484 = arith.constant 6 : i32
    %select_n3A_485 = arith.select %gt3A_482, %jit3A_484, %select_n3A_479 : i32
    %slice3A_486 = vector.extract_strided_slice %max3A_353 {offsets = [7], sizes = [1], strides = [1]} : vector<16xi32> to vector<1xi32>
    %squeeze3A_487 = vector.extract %slice3A_486[0] : i32 from vector<1xi32>
    %gt3A_488 = arith.cmpi sgt, %squeeze3A_487, %select_n3A_483 : i32
    %select_n3A_489 = arith.select %gt3A_488, %squeeze3A_487, %select_n3A_483 : i32
    %jit3A_490 = arith.constant 7 : i32
    %select_n3A_491 = arith.select %gt3A_488, %jit3A_490, %select_n3A_485 : i32
    %slice3A_492 = vector.extract_strided_slice %max3A_353 {offsets = [8], sizes = [1], strides = [1]} : vector<16xi32> to vector<1xi32>
    %squeeze3A_493 = vector.extract %slice3A_492[0] : i32 from vector<1xi32>
    %gt3A_494 = arith.cmpi sgt, %squeeze3A_493, %select_n3A_489 : i32
    %select_n3A_495 = arith.select %gt3A_494, %squeeze3A_493, %select_n3A_489 : i32
    %jit3A_496 = arith.constant 8 : i32
    %select_n3A_497 = arith.select %gt3A_494, %jit3A_496, %select_n3A_491 : i32
    %slice3A_498 = vector.extract_strided_slice %max3A_353 {offsets = [9], sizes = [1], strides = [1]} : vector<16xi32> to vector<1xi32>
    %squeeze3A_499 = vector.extract %slice3A_498[0] : i32 from vector<1xi32>
    %gt3A_500 = arith.cmpi sgt, %squeeze3A_499, %select_n3A_495 : i32
    %select_n3A_501 = arith.select %gt3A_500, %squeeze3A_499, %select_n3A_495 : i32
    %jit3A_502 = arith.constant 9 : i32
    %select_n3A_503 = arith.select %gt3A_500, %jit3A_502, %select_n3A_497 : i32
    %slice3A_504 = vector.extract_strided_slice %max3A_353 {offsets = [10], sizes = [1], strides = [1]} : vector<16xi32> to vector<1xi32>
    %squeeze3A_505 = vector.extract %slice3A_504[0] : i32 from vector<1xi32>
    %gt3A_506 = arith.cmpi sgt, %squeeze3A_505, %select_n3A_501 : i32
    %select_n3A_507 = arith.select %gt3A_506, %squeeze3A_505, %select_n3A_501 : i32
    %jit3A_508 = arith.constant 10 : i32
    %select_n3A_509 = arith.select %gt3A_506, %jit3A_508, %select_n3A_503 : i32
    %slice3A_510 = vector.extract_strided_slice %max3A_353 {offsets = [11], sizes = [1], strides = [1]} : vector<16xi32> to vector<1xi32>
    %squeeze3A_511 = vector.extract %slice3A_510[0] : i32 from vector<1xi32>
    %gt3A_512 = arith.cmpi sgt, %squeeze3A_511, %select_n3A_507 : i32
    %select_n3A_513 = arith.select %gt3A_512, %squeeze3A_511, %select_n3A_507 : i32
    %jit3A_514 = arith.constant 11 : i32
    %select_n3A_515 = arith.select %gt3A_512, %jit3A_514, %select_n3A_509 : i32
    %slice3A_516 = vector.extract_strided_slice %max3A_353 {offsets = [12], sizes = [1], strides = [1]} : vector<16xi32> to vector<1xi32>
    %squeeze3A_517 = vector.extract %slice3A_516[0] : i32 from vector<1xi32>
    %gt3A_518 = arith.cmpi sgt, %squeeze3A_517, %select_n3A_513 : i32
    %select_n3A_519 = arith.select %gt3A_518, %squeeze3A_517, %select_n3A_513 : i32
    %jit3A_520 = arith.constant 12 : i32
    %select_n3A_521 = arith.select %gt3A_518, %jit3A_520, %select_n3A_515 : i32
    %slice3A_522 = vector.extract_strided_slice %max3A_353 {offsets = [13], sizes = [1], strides = [1]} : vector<16xi32> to vector<1xi32>
    %squeeze3A_523 = vector.extract %slice3A_522[0] : i32 from vector<1xi32>
    %gt3A_524 = arith.cmpi sgt, %squeeze3A_523, %select_n3A_519 : i32
    %select_n3A_525 = arith.select %gt3A_524, %squeeze3A_523, %select_n3A_519 : i32
    %jit3A_526 = arith.constant 13 : i32
    %select_n3A_527 = arith.select %gt3A_524, %jit3A_526, %select_n3A_521 : i32
    %slice3A_528 = vector.extract_strided_slice %max3A_353 {offsets = [14], sizes = [1], strides = [1]} : vector<16xi32> to vector<1xi32>
    %squeeze3A_529 = vector.extract %slice3A_528[0] : i32 from vector<1xi32>
    %gt3A_530 = arith.cmpi sgt, %squeeze3A_529, %select_n3A_525 : i32
    %select_n3A_531 = arith.select %gt3A_530, %squeeze3A_529, %select_n3A_525 : i32
    %jit3A_532 = arith.constant 14 : i32
    %select_n3A_533 = arith.select %gt3A_530, %jit3A_532, %select_n3A_527 : i32
    %slice3A_534 = vector.extract_strided_slice %max3A_353 {offsets = [15], sizes = [1], strides = [1]} : vector<16xi32> to vector<1xi32>
    %squeeze3A_535 = vector.extract %slice3A_534[0] : i32 from vector<1xi32>
    %gt3A_536 = arith.cmpi sgt, %squeeze3A_535, %select_n3A_531 : i32
    %select_n3A_537 = arith.select %gt3A_536, %squeeze3A_535, %select_n3A_531 : i32
    %jit3A_538 = arith.constant 15 : i32
    %select_n3A_539 = arith.select %gt3A_536, %jit3A_538, %select_n3A_533 : i32
    %gt3A_540 = arith.constant 65535 : i32
    %gt3A_541 = arith.cmpi sgt, %select_n3A_444, %gt3A_540 : i32
    %gt3A_542 = arith.constant 65535 : i32
    %gt3A_543 = arith.cmpi sgt, %select_n3A_537, %gt3A_542 : i32
    %and3A_544 = arith.andi %gt3A_541, %gt3A_543 : i1
    %convert_element_type3A_545 = arith.extui %and3A_544 : i1 to i32
    %cond3A_546 = arith.constant 0 : i32
    %cond3A_547 = arith.cmpi ne, %convert_element_type3A_545, %cond3A_546 : i32
    %cond3A_548:2 = scf.if %cond3A_547 -> (i32, i32) {
      %and3A_562 = arith.constant 65535 : i32
      %and3A_563 = arith.andi %select_n3A_444, %and3A_562 : i32
      %sub3A = arith.constant 2047 : i32
      %sub3A_564 = arith.subi %sub3A, %and3A_563 : i32
      %mul3A_565 = arith.constant 16 : i32
      %mul3A_566 = arith.muli %sub3A_564, %mul3A_565 : i32
      %add3A_567 = arith.addi %mul3A_566, %select_n3A_446 : i32
      %and3A_568 = arith.constant 65535 : i32
      %and3A_569 = arith.andi %select_n3A_537, %and3A_568 : i32
      %sub3A_570 = arith.constant 2047 : i32
      %sub3A_571 = arith.subi %sub3A_570, %and3A_569 : i32
      %mul3A_572 = arith.constant 16 : i32
      %mul3A_573 = arith.muli %sub3A_571, %mul3A_572 : i32
      %add3A_574 = arith.addi %mul3A_573, %select_n3A_539 : i32
      scf.yield %add3A_567, %add3A_574 : i32, i32
    } else {
      %broadcast_in_dim3A_562 = arith.constant 2047 : i32
      %broadcast_in_dim3A_563 = vector.broadcast %broadcast_in_dim3A_562 : i32 to vector<16xi32>
      %broadcast_in_dim3A_564 = arith.constant -2147483648 : i32
      %broadcast_in_dim3A_565 = vector.broadcast %broadcast_in_dim3A_564 : i32 to vector<16xi32>
      %scan3A_566 = arith.constant 0 : i32
      %scan3A_567 = arith.constant 2048 : i32
      %scan3A_568 = arith.addi %scan3A_566, %scan3A_567 : i32
      %scan3A_569 = arith.constant 1 : i32
      %scan3A_570:3 = scf.for %scan3A_771 = %scan3A_566 to %scan3A_568 step %scan3A_569 iter_args(%scan3A_772 = %broadcast_in_dim3A_565, %scan3A_773 = %broadcast_in_dim3A_565, %scan3A_774 = %broadcast_in_dim3A_563) -> (vector<16xi32>, vector<16xi32>, vector<16xi32>)  : i32 {
        %mul3A_775 = arith.constant 16 : i32
        %mul3A_776 = arith.muli %scan3A_771, %mul3A_775 : i32
        %get3A = arith.constant 1 : i32
        %get3A_777 = arith.index_cast %get3A : i32 to index
        %get3A_778 = arith.index_cast %mul3A_776 : i32 to index
        %get3A_779 = tpu.vector_load %arg4[%get3A_777, %get3A_778] {strides = array<i32>} : memref<2x32768xi32, #tpu.memory_space<vmem>>, vector<1x16xi32>,
        %get3A_780 = vector.shape_cast %get3A_779 : vector<1x16xi32> to vector<16xi32>
        %and3A_781 = arith.constant -2147450880 : i32
        %and3A_782 = vector.broadcast %and3A_781 : i32 to vector<16xi32>
        %and3A_783 = arith.andi %get3A_780, %and3A_782 : vector<16xi32>
        %shift_right_arithmetic3A = arith.constant 15 : i32
        %shift_right_arithmetic3A_784 = vector.broadcast %shift_right_arithmetic3A : i32 to vector<16xi32>
        %shift_right_arithmetic3A_785 = arith.shrsi %get3A_780, %shift_right_arithmetic3A_784 : vector<16xi32>
        %and3A_786 = arith.constant 65537 : i32
        %and3A_787 = vector.broadcast %and3A_786 : i32 to vector<16xi32>
        %and3A_788 = arith.andi %shift_right_arithmetic3A_785, %and3A_787 : vector<16xi32>
        %sub3A_789 = arith.subi %and3A_783, %and3A_788 : vector<16xi32>
        %xor3A = arith.xori %get3A_780, %sub3A_789 : vector<16xi32>
        %shift_left3A = arith.constant 16 : i32
        %shift_left3A_790 = vector.broadcast %shift_left3A : i32 to vector<16xi32>
        %shift_left3A_791 = arith.shli %xor3A, %shift_left3A_790 : vector<16xi32>
        %or3A = arith.ori %shift_left3A_791, %scan3A_774 : vector<16xi32>
        %max3A_792 = arith.maxsi %scan3A_772, %or3A : vector<16xi32>
        %and3A_793 = arith.constant -65536 : i32
        %and3A_794 = vector.broadcast %and3A_793 : i32 to vector<16xi32>
        %and3A_795 = arith.andi %xor3A, %and3A_794 : vector<16xi32>
        %or3A_796 = arith.ori %and3A_795, %scan3A_774 : vector<16xi32>
        %max3A_797 = arith.maxsi %scan3A_773, %or3A_796 : vector<16xi32>
        %sub3A_798 = arith.constant 1 : i32
        %sub3A_799 = vector.broadcast %sub3A_798 : i32 to vector<16xi32>
        %sub3A_800 = arith.subi %scan3A_774, %sub3A_799 : vector<16xi32>
        scf.yield %max3A_792, %max3A_797, %sub3A_800 : vector<16xi32>, vector<16xi32>, vector<16xi32>
      }
      %scan3A_571 = arith.constant 2048 : i32
      %slice3A_572 = vector.extract_strided_slice %scan3A_570#0 {offsets = [0], sizes = [1], strides = [1]} : vector<16xi32> to vector<1xi32>
      %squeeze3A_573 = vector.extract %slice3A_572[0] : i32 from vector<1xi32>
      %slice3A_574 = vector.extract_strided_slice %scan3A_570#0 {offsets = [1], sizes = [1], strides = [1]} : vector<16xi32> to vector<1xi32>
      %squeeze3A_575 = vector.extract %slice3A_574[0] : i32 from vector<1xi32>
      %gt3A_576 = arith.cmpi sgt, %squeeze3A_575, %squeeze3A_573 : i32
      %select_n3A_577 = arith.select %gt3A_576, %squeeze3A_575, %squeeze3A_573 : i32
      %jit3A_578 = arith.constant 1 : i32
      %jit3A_579 = arith.constant 0 : i32
      %select_n3A_580 = arith.select %gt3A_576, %jit3A_578, %jit3A_579 : i32
      %slice3A_581 = vector.extract_strided_slice %scan3A_570#0 {offsets = [2], sizes = [1], strides = [1]} : vector<16xi32> to vector<1xi32>
      %squeeze3A_582 = vector.extract %slice3A_581[0] : i32 from vector<1xi32>
      %gt3A_583 = arith.cmpi sgt, %squeeze3A_582, %select_n3A_577 : i32
      %select_n3A_584 = arith.select %gt3A_583, %squeeze3A_582, %select_n3A_577 : i32
      %jit3A_585 = arith.constant 2 : i32
      %select_n3A_586 = arith.select %gt3A_583, %jit3A_585, %select_n3A_580 : i32
      %slice3A_587 = vector.extract_strided_slice %scan3A_570#0 {offsets = [3], sizes = [1], strides = [1]} : vector<16xi32> to vector<1xi32>
      %squeeze3A_588 = vector.extract %slice3A_587[0] : i32 from vector<1xi32>
      %gt3A_589 = arith.cmpi sgt, %squeeze3A_588, %select_n3A_584 : i32
      %select_n3A_590 = arith.select %gt3A_589, %squeeze3A_588, %select_n3A_584 : i32
      %jit3A_591 = arith.constant 3 : i32
      %select_n3A_592 = arith.select %gt3A_589, %jit3A_591, %select_n3A_586 : i32
      %slice3A_593 = vector.extract_strided_slice %scan3A_570#0 {offsets = [4], sizes = [1], strides = [1]} : vector<16xi32> to vector<1xi32>
      %squeeze3A_594 = vector.extract %slice3A_593[0] : i32 from vector<1xi32>
      %gt3A_595 = arith.cmpi sgt, %squeeze3A_594, %select_n3A_590 : i32
      %select_n3A_596 = arith.select %gt3A_595, %squeeze3A_594, %select_n3A_590 : i32
      %jit3A_597 = arith.constant 4 : i32
      %select_n3A_598 = arith.select %gt3A_595, %jit3A_597, %select_n3A_592 : i32
      %slice3A_599 = vector.extract_strided_slice %scan3A_570#0 {offsets = [5], sizes = [1], strides = [1]} : vector<16xi32> to vector<1xi32>
      %squeeze3A_600 = vector.extract %slice3A_599[0] : i32 from vector<1xi32>
      %gt3A_601 = arith.cmpi sgt, %squeeze3A_600, %select_n3A_596 : i32
      %select_n3A_602 = arith.select %gt3A_601, %squeeze3A_600, %select_n3A_596 : i32
      %jit3A_603 = arith.constant 5 : i32
      %select_n3A_604 = arith.select %gt3A_601, %jit3A_603, %select_n3A_598 : i32
      %slice3A_605 = vector.extract_strided_slice %scan3A_570#0 {offsets = [6], sizes = [1], strides = [1]} : vector<16xi32> to vector<1xi32>
      %squeeze3A_606 = vector.extract %slice3A_605[0] : i32 from vector<1xi32>
      %gt3A_607 = arith.cmpi sgt, %squeeze3A_606, %select_n3A_602 : i32
      %select_n3A_608 = arith.select %gt3A_607, %squeeze3A_606, %select_n3A_602 : i32
      %jit3A_609 = arith.constant 6 : i32
      %select_n3A_610 = arith.select %gt3A_607, %jit3A_609, %select_n3A_604 : i32
      %slice3A_611 = vector.extract_strided_slice %scan3A_570#0 {offsets = [7], sizes = [1], strides = [1]} : vector<16xi32> to vector<1xi32>
      %squeeze3A_612 = vector.extract %slice3A_611[0] : i32 from vector<1xi32>
      %gt3A_613 = arith.cmpi sgt, %squeeze3A_612, %select_n3A_608 : i32
      %select_n3A_614 = arith.select %gt3A_613, %squeeze3A_612, %select_n3A_608 : i32
      %jit3A_615 = arith.constant 7 : i32
      %select_n3A_616 = arith.select %gt3A_613, %jit3A_615, %select_n3A_610 : i32
      %slice3A_617 = vector.extract_strided_slice %scan3A_570#0 {offsets = [8], sizes = [1], strides = [1]} : vector<16xi32> to vector<1xi32>
      %squeeze3A_618 = vector.extract %slice3A_617[0] : i32 from vector<1xi32>
      %gt3A_619 = arith.cmpi sgt, %squeeze3A_618, %select_n3A_614 : i32
      %select_n3A_620 = arith.select %gt3A_619, %squeeze3A_618, %select_n3A_614 : i32
      %jit3A_621 = arith.constant 8 : i32
      %select_n3A_622 = arith.select %gt3A_619, %jit3A_621, %select_n3A_616 : i32
      %slice3A_623 = vector.extract_strided_slice %scan3A_570#0 {offsets = [9], sizes = [1], strides = [1]} : vector<16xi32> to vector<1xi32>
      %squeeze3A_624 = vector.extract %slice3A_623[0] : i32 from vector<1xi32>
      %gt3A_625 = arith.cmpi sgt, %squeeze3A_624, %select_n3A_620 : i32
      %select_n3A_626 = arith.select %gt3A_625, %squeeze3A_624, %select_n3A_620 : i32
      %jit3A_627 = arith.constant 9 : i32
      %select_n3A_628 = arith.select %gt3A_625, %jit3A_627, %select_n3A_622 : i32
      %slice3A_629 = vector.extract_strided_slice %scan3A_570#0 {offsets = [10], sizes = [1], strides = [1]} : vector<16xi32> to vector<1xi32>
      %squeeze3A_630 = vector.extract %slice3A_629[0] : i32 from vector<1xi32>
      %gt3A_631 = arith.cmpi sgt, %squeeze3A_630, %select_n3A_626 : i32
      %select_n3A_632 = arith.select %gt3A_631, %squeeze3A_630, %select_n3A_626 : i32
      %jit3A_633 = arith.constant 10 : i32
      %select_n3A_634 = arith.select %gt3A_631, %jit3A_633, %select_n3A_628 : i32
      %slice3A_635 = vector.extract_strided_slice %scan3A_570#0 {offsets = [11], sizes = [1], strides = [1]} : vector<16xi32> to vector<1xi32>
      %squeeze3A_636 = vector.extract %slice3A_635[0] : i32 from vector<1xi32>
      %gt3A_637 = arith.cmpi sgt, %squeeze3A_636, %select_n3A_632 : i32
      %select_n3A_638 = arith.select %gt3A_637, %squeeze3A_636, %select_n3A_632 : i32
      %jit3A_639 = arith.constant 11 : i32
      %select_n3A_640 = arith.select %gt3A_637, %jit3A_639, %select_n3A_634 : i32
      %slice3A_641 = vector.extract_strided_slice %scan3A_570#0 {offsets = [12], sizes = [1], strides = [1]} : vector<16xi32> to vector<1xi32>
      %squeeze3A_642 = vector.extract %slice3A_641[0] : i32 from vector<1xi32>
      %gt3A_643 = arith.cmpi sgt, %squeeze3A_642, %select_n3A_638 : i32
      %select_n3A_644 = arith.select %gt3A_643, %squeeze3A_642, %select_n3A_638 : i32
      %jit3A_645 = arith.constant 12 : i32
      %select_n3A_646 = arith.select %gt3A_643, %jit3A_645, %select_n3A_640 : i32
      %slice3A_647 = vector.extract_strided_slice %scan3A_570#0 {offsets = [13], sizes = [1], strides = [1]} : vector<16xi32> to vector<1xi32>
      %squeeze3A_648 = vector.extract %slice3A_647[0] : i32 from vector<1xi32>
      %gt3A_649 = arith.cmpi sgt, %squeeze3A_648, %select_n3A_644 : i32
      %select_n3A_650 = arith.select %gt3A_649, %squeeze3A_648, %select_n3A_644 : i32
      %jit3A_651 = arith.constant 13 : i32
      %select_n3A_652 = arith.select %gt3A_649, %jit3A_651, %select_n3A_646 : i32
      %slice3A_653 = vector.extract_strided_slice %scan3A_570#0 {offsets = [14], sizes = [1], strides = [1]} : vector<16xi32> to vector<1xi32>
      %squeeze3A_654 = vector.extract %slice3A_653[0] : i32 from vector<1xi32>
      %gt3A_655 = arith.cmpi sgt, %squeeze3A_654, %select_n3A_650 : i32
      %select_n3A_656 = arith.select %gt3A_655, %squeeze3A_654, %select_n3A_650 : i32
      %jit3A_657 = arith.constant 14 : i32
      %select_n3A_658 = arith.select %gt3A_655, %jit3A_657, %select_n3A_652 : i32
      %slice3A_659 = vector.extract_strided_slice %scan3A_570#0 {offsets = [15], sizes = [1], strides = [1]} : vector<16xi32> to vector<1xi32>
      %squeeze3A_660 = vector.extract %slice3A_659[0] : i32 from vector<1xi32>
      %gt3A_661 = arith.cmpi sgt, %squeeze3A_660, %select_n3A_656 : i32
      %select_n3A_662 = arith.select %gt3A_661, %squeeze3A_660, %select_n3A_656 : i32
      %jit3A_663 = arith.constant 15 : i32
      %select_n3A_664 = arith.select %gt3A_661, %jit3A_663, %select_n3A_658 : i32
      %slice3A_665 = vector.extract_strided_slice %scan3A_570#1 {offsets = [0], sizes = [1], strides = [1]} : vector<16xi32> to vector<1xi32>
      %squeeze3A_666 = vector.extract %slice3A_665[0] : i32 from vector<1xi32>
      %slice3A_667 = vector.extract_strided_slice %scan3A_570#1 {offsets = [1], sizes = [1], strides = [1]} : vector<16xi32> to vector<1xi32>
      %squeeze3A_668 = vector.extract %slice3A_667[0] : i32 from vector<1xi32>
      %gt3A_669 = arith.cmpi sgt, %squeeze3A_668, %squeeze3A_666 : i32
      %select_n3A_670 = arith.select %gt3A_669, %squeeze3A_668, %squeeze3A_666 : i32
      %jit3A_671 = arith.constant 1 : i32
      %jit3A_672 = arith.constant 0 : i32
      %select_n3A_673 = arith.select %gt3A_669, %jit3A_671, %jit3A_672 : i32
      %slice3A_674 = vector.extract_strided_slice %scan3A_570#1 {offsets = [2], sizes = [1], strides = [1]} : vector<16xi32> to vector<1xi32>
      %squeeze3A_675 = vector.extract %slice3A_674[0] : i32 from vector<1xi32>
      %gt3A_676 = arith.cmpi sgt, %squeeze3A_675, %select_n3A_670 : i32
      %select_n3A_677 = arith.select %gt3A_676, %squeeze3A_675, %select_n3A_670 : i32
      %jit3A_678 = arith.constant 2 : i32
      %select_n3A_679 = arith.select %gt3A_676, %jit3A_678, %select_n3A_673 : i32
      %slice3A_680 = vector.extract_strided_slice %scan3A_570#1 {offsets = [3], sizes = [1], strides = [1]} : vector<16xi32> to vector<1xi32>
      %squeeze3A_681 = vector.extract %slice3A_680[0] : i32 from vector<1xi32>
      %gt3A_682 = arith.cmpi sgt, %squeeze3A_681, %select_n3A_677 : i32
      %select_n3A_683 = arith.select %gt3A_682, %squeeze3A_681, %select_n3A_677 : i32
      %jit3A_684 = arith.constant 3 : i32
      %select_n3A_685 = arith.select %gt3A_682, %jit3A_684, %select_n3A_679 : i32
      %slice3A_686 = vector.extract_strided_slice %scan3A_570#1 {offsets = [4], sizes = [1], strides = [1]} : vector<16xi32> to vector<1xi32>
      %squeeze3A_687 = vector.extract %slice3A_686[0] : i32 from vector<1xi32>
      %gt3A_688 = arith.cmpi sgt, %squeeze3A_687, %select_n3A_683 : i32
      %select_n3A_689 = arith.select %gt3A_688, %squeeze3A_687, %select_n3A_683 : i32
      %jit3A_690 = arith.constant 4 : i32
      %select_n3A_691 = arith.select %gt3A_688, %jit3A_690, %select_n3A_685 : i32
      %slice3A_692 = vector.extract_strided_slice %scan3A_570#1 {offsets = [5], sizes = [1], strides = [1]} : vector<16xi32> to vector<1xi32>
      %squeeze3A_693 = vector.extract %slice3A_692[0] : i32 from vector<1xi32>
      %gt3A_694 = arith.cmpi sgt, %squeeze3A_693, %select_n3A_689 : i32
      %select_n3A_695 = arith.select %gt3A_694, %squeeze3A_693, %select_n3A_689 : i32
      %jit3A_696 = arith.constant 5 : i32
      %select_n3A_697 = arith.select %gt3A_694, %jit3A_696, %select_n3A_691 : i32
      %slice3A_698 = vector.extract_strided_slice %scan3A_570#1 {offsets = [6], sizes = [1], strides = [1]} : vector<16xi32> to vector<1xi32>
      %squeeze3A_699 = vector.extract %slice3A_698[0] : i32 from vector<1xi32>
      %gt3A_700 = arith.cmpi sgt, %squeeze3A_699, %select_n3A_695 : i32
      %select_n3A_701 = arith.select %gt3A_700, %squeeze3A_699, %select_n3A_695 : i32
      %jit3A_702 = arith.constant 6 : i32
      %select_n3A_703 = arith.select %gt3A_700, %jit3A_702, %select_n3A_697 : i32
      %slice3A_704 = vector.extract_strided_slice %scan3A_570#1 {offsets = [7], sizes = [1], strides = [1]} : vector<16xi32> to vector<1xi32>
      %squeeze3A_705 = vector.extract %slice3A_704[0] : i32 from vector<1xi32>
      %gt3A_706 = arith.cmpi sgt, %squeeze3A_705, %select_n3A_701 : i32
      %select_n3A_707 = arith.select %gt3A_706, %squeeze3A_705, %select_n3A_701 : i32
      %jit3A_708 = arith.constant 7 : i32
      %select_n3A_709 = arith.select %gt3A_706, %jit3A_708, %select_n3A_703 : i32
      %slice3A_710 = vector.extract_strided_slice %scan3A_570#1 {offsets = [8], sizes = [1], strides = [1]} : vector<16xi32> to vector<1xi32>
      %squeeze3A_711 = vector.extract %slice3A_710[0] : i32 from vector<1xi32>
      %gt3A_712 = arith.cmpi sgt, %squeeze3A_711, %select_n3A_707 : i32
      %select_n3A_713 = arith.select %gt3A_712, %squeeze3A_711, %select_n3A_707 : i32
      %jit3A_714 = arith.constant 8 : i32
      %select_n3A_715 = arith.select %gt3A_712, %jit3A_714, %select_n3A_709 : i32
      %slice3A_716 = vector.extract_strided_slice %scan3A_570#1 {offsets = [9], sizes = [1], strides = [1]} : vector<16xi32> to vector<1xi32>
      %squeeze3A_717 = vector.extract %slice3A_716[0] : i32 from vector<1xi32>
      %gt3A_718 = arith.cmpi sgt, %squeeze3A_717, %select_n3A_713 : i32
      %select_n3A_719 = arith.select %gt3A_718, %squeeze3A_717, %select_n3A_713 : i32
      %jit3A_720 = arith.constant 9 : i32
      %select_n3A_721 = arith.select %gt3A_718, %jit3A_720, %select_n3A_715 : i32
      %slice3A_722 = vector.extract_strided_slice %scan3A_570#1 {offsets = [10], sizes = [1], strides = [1]} : vector<16xi32> to vector<1xi32>
      %squeeze3A_723 = vector.extract %slice3A_722[0] : i32 from vector<1xi32>
      %gt3A_724 = arith.cmpi sgt, %squeeze3A_723, %select_n3A_719 : i32
      %select_n3A_725 = arith.select %gt3A_724, %squeeze3A_723, %select_n3A_719 : i32
      %jit3A_726 = arith.constant 10 : i32
      %select_n3A_727 = arith.select %gt3A_724, %jit3A_726, %select_n3A_721 : i32
      %slice3A_728 = vector.extract_strided_slice %scan3A_570#1 {offsets = [11], sizes = [1], strides = [1]} : vector<16xi32> to vector<1xi32>
      %squeeze3A_729 = vector.extract %slice3A_728[0] : i32 from vector<1xi32>
      %gt3A_730 = arith.cmpi sgt, %squeeze3A_729, %select_n3A_725 : i32
      %select_n3A_731 = arith.select %gt3A_730, %squeeze3A_729, %select_n3A_725 : i32
      %jit3A_732 = arith.constant 11 : i32
      %select_n3A_733 = arith.select %gt3A_730, %jit3A_732, %select_n3A_727 : i32
      %slice3A_734 = vector.extract_strided_slice %scan3A_570#1 {offsets = [12], sizes = [1], strides = [1]} : vector<16xi32> to vector<1xi32>
      %squeeze3A_735 = vector.extract %slice3A_734[0] : i32 from vector<1xi32>
      %gt3A_736 = arith.cmpi sgt, %squeeze3A_735, %select_n3A_731 : i32
      %select_n3A_737 = arith.select %gt3A_736, %squeeze3A_735, %select_n3A_731 : i32
      %jit3A_738 = arith.constant 12 : i32
      %select_n3A_739 = arith.select %gt3A_736, %jit3A_738, %select_n3A_733 : i32
      %slice3A_740 = vector.extract_strided_slice %scan3A_570#1 {offsets = [13], sizes = [1], strides = [1]} : vector<16xi32> to vector<1xi32>
      %squeeze3A_741 = vector.extract %slice3A_740[0] : i32 from vector<1xi32>
      %gt3A_742 = arith.cmpi sgt, %squeeze3A_741, %select_n3A_737 : i32
      %select_n3A_743 = arith.select %gt3A_742, %squeeze3A_741, %select_n3A_737 : i32
      %jit3A_744 = arith.constant 13 : i32
      %select_n3A_745 = arith.select %gt3A_742, %jit3A_744, %select_n3A_739 : i32
      %slice3A_746 = vector.extract_strided_slice %scan3A_570#1 {offsets = [14], sizes = [1], strides = [1]} : vector<16xi32> to vector<1xi32>
      %squeeze3A_747 = vector.extract %slice3A_746[0] : i32 from vector<1xi32>
      %gt3A_748 = arith.cmpi sgt, %squeeze3A_747, %select_n3A_743 : i32
      %select_n3A_749 = arith.select %gt3A_748, %squeeze3A_747, %select_n3A_743 : i32
      %jit3A_750 = arith.constant 14 : i32
      %select_n3A_751 = arith.select %gt3A_748, %jit3A_750, %select_n3A_745 : i32
      %slice3A_752 = vector.extract_strided_slice %scan3A_570#1 {offsets = [15], sizes = [1], strides = [1]} : vector<16xi32> to vector<1xi32>
      %squeeze3A_753 = vector.extract %slice3A_752[0] : i32 from vector<1xi32>
      %gt3A_754 = arith.cmpi sgt, %squeeze3A_753, %select_n3A_749 : i32
      %select_n3A_755 = arith.select %gt3A_754, %squeeze3A_753, %select_n3A_749 : i32
      %jit3A_756 = arith.constant 15 : i32
      %select_n3A_757 = arith.select %gt3A_754, %jit3A_756, %select_n3A_751 : i32
      %and3A_758 = arith.constant 65535 : i32
      %and3A_759 = arith.andi %select_n3A_662, %and3A_758 : i32
      %sub3A = arith.constant 2047 : i32
      %sub3A_760 = arith.subi %sub3A, %and3A_759 : i32
      %mul3A_761 = arith.constant 16 : i32
      %mul3A_762 = arith.muli %sub3A_760, %mul3A_761 : i32
      %add3A_763 = arith.addi %mul3A_762, %select_n3A_664 : i32
      %and3A_764 = arith.constant 65535 : i32
      %and3A_765 = arith.andi %select_n3A_755, %and3A_764 : i32
      %sub3A_766 = arith.constant 2047 : i32
      %sub3A_767 = arith.subi %sub3A_766, %and3A_765 : i32
      %mul3A_768 = arith.constant 16 : i32
      %mul3A_769 = arith.muli %sub3A_767, %mul3A_768 : i32
      %add3A_770 = arith.addi %mul3A_769, %select_n3A_757 : i32
      scf.yield %add3A_763, %add3A_770 : i32, i32
    }
    %eq3A_549 = arith.constant 2 : i32
    %eq3A_550 = vector.broadcast %eq3A_549 : i32 to vector<16xi32>
    %eq3A_551 = arith.cmpi eq, %iota3A, %eq3A_550 : vector<16xi32>
    %broadcast_in_dim3A_552 = vector.broadcast %cond3A_548#0 : i32 to vector<16xi32>
    %select_n3A_553 = arith.select %eq3A_551, %broadcast_in_dim3A_552, %select_n3A_309 : vector<16xi1>, vector<16xi32>
    %eq3A_554 = arith.constant 3 : i32
    %eq3A_555 = vector.broadcast %eq3A_554 : i32 to vector<16xi32>
    %eq3A_556 = arith.cmpi eq, %iota3A, %eq3A_555 : vector<16xi32>
    %broadcast_in_dim3A_557 = vector.broadcast %cond3A_548#1 : i32 to vector<16xi32>
    %select_n3A_558 = arith.select %eq3A_556, %broadcast_in_dim3A_557, %select_n3A_553 : vector<16xi1>, vector<16xi32>
    %swap3A = arith.constant 0 : index
    %swap3A_559 = tpu.vector_load %arg5[%swap3A] {strides = array<i32>} : memref<16xi32, #tpu.memory_space<vmem>>, vector<16xi32>,
    %swap3A_560 = vector.shape_cast %swap3A_559 : vector<16xi32> to vector<16xi32>
    %swap3A_561 = vector.shape_cast %select_n3A_558 : vector<16xi32> to vector<16xi32>
    tpu.vector_store %arg5[%swap3A], %swap3A_561 {strides = array<i32>} : memref<16xi32, #tpu.memory_space<vmem>>, vector<16xi32>,
    "tpu.region"() ({
      %run_scoped3A = tpu.sem_alloc : memref<!tpu.dma_semaphore, #tpu.memory_space<semaphore_mem>>
      %dma_start3A_562 = arith.constant 0 : i32
      %dma_start3A_563 = tpu.memref_slice %arg3[%add3A, %dma_start3A_562] : memref<32x16xi32, #tpu.memory_space<hbm>> -> memref<1x16xi32, #tpu.memory_space<hbm>>
      %dma_start3A_564 = tpu.memref_squeeze %dma_start3A_563 : memref<1x16xi32, #tpu.memory_space<hbm>> -> memref<16xi32, #tpu.memory_space<hbm>>
      %dma_start3A_565 = arith.constant 0 : i32
      %dma_start3A_566 = tpu.memref_slice %arg3[%add3A, %dma_start3A_565] : memref<32x16xi32, #tpu.memory_space<hbm>> -> memref<1x16xi32, #tpu.memory_space<hbm>>
      %dma_start3A_567 = tpu.memref_squeeze %dma_start3A_566 : memref<1x16xi32, #tpu.memory_space<hbm>> -> memref<16xi32, #tpu.memory_space<hbm>>
      tpu.enqueue_dma source(%arg5 : memref<16xi32, #tpu.memory_space<vmem>>) target(%dma_start3A_567 : memref<16xi32, #tpu.memory_space<hbm>>) target_semaphore(%run_scoped3A : memref<!tpu.dma_semaphore, #tpu.memory_space<semaphore_mem>>)
      %dma_wait3A_568 = arith.constant 0 : i32
      %dma_wait3A_569 = tpu.memref_slice %arg3[%add3A, %dma_wait3A_568] : memref<32x16xi32, #tpu.memory_space<hbm>> -> memref<1x16xi32, #tpu.memory_space<hbm>>
      %dma_wait3A_570 = tpu.memref_squeeze %dma_wait3A_569 : memref<1x16xi32, #tpu.memory_space<hbm>> -> memref<16xi32, #tpu.memory_space<hbm>>
      %dma_wait3A_571 = arith.constant 0 : i32
      %dma_wait3A_572 = tpu.memref_slice %arg3[%add3A, %dma_wait3A_571] : memref<32x16xi32, #tpu.memory_space<hbm>> -> memref<1x16xi32, #tpu.memory_space<hbm>>
      %dma_wait3A_573 = tpu.memref_squeeze %dma_wait3A_572 : memref<1x16xi32, #tpu.memory_space<hbm>> -> memref<16xi32, #tpu.memory_space<hbm>>
      tpu.wait_dma2 semaphore(%run_scoped3A : memref<!tpu.dma_semaphore, #tpu.memory_space<semaphore_mem>>) src(%arg5 : memref<16xi32, #tpu.memory_space<vmem>>) dst(%dma_wait3A_573 : memref<16xi32, #tpu.memory_space<hbm>>)
      tpu.yield
    }) : () -> ()
    return
  }
}

</mosaic_0001>

<sc_bundles>
// kernel: kernel.3.cloned.1.call-start
scs
__scs_entry_jumppad:
0x0: {  	(pc) =	sbr.rel $0x88, $3  }
0x1: {  	(tag) =	ssettag $0x0;
	lr =	simm.s32 $0x1  }
0x2: {  	[smem:$0x3FA0] =	sst lr;
	_ =	strace $0xD0000000  }
0x3: {  	_ = 	snop  }
0x4: {  	_ = 	snop  }
0x5: {  	_ = 	snop  }
0x6: {  	_ = 	snop  }
0x7: {  	_ = 	snop  }
__scs_overlays_trampoline_lowered:
0x8: {  	[smem:$0x3FAF] =	sst s0  }
0x9: {  	[smem:$0x3FB0] =	sst s1  }
0xa: {  	[smem:$0x3FB1] =	sst s2  }
0xb: {  	[smem:$0x3FB2] =	sst s3  }
0xc: {  	[smem:$0x3FB3] =	sst s4  }
0xd: {  	[smem:$0x3FB4] =	sst s5  }
0xe: {  	[smem:$0x3FB5] =	sst s6  }
0xf: {  	[smem:$0x3FB6] =	sst s7  }
0x10: {  	[smem:$0x3FB7] =	sst s8  }
0x11: {  	[smem:$0x3FB8] =	sst s9;
	s0 =	simm.s32 @!p0 $0x0  }
0x12: {  	s1 =	sld [smem:$0x3F9E];
	s0 =	simm.s32 @p0 $0x1  }
0x13: {  	[smem:$0x3FB9] =	sst s0;
	s0 =	simm.s32 @!p1 $0x0  }
0x14: {  	s2 =	sld [smem:$0x3F9D];
	s0 =	simm.s32 @p1 $0x1  }
0x15: {  	[smem:$0x3FBA] =	sst s0;
	s0 =	simm.s32 @!p2 $0x0  }
0x16: {  	s3 =	sld [smem:$0x3FDB];
	s0 =	simm.s32 @p2 $0x1  }
0x17: {  	s4 =	simm.s32 $0x1BF5;
	[smem:$0x3FBC] =	sst s0  }
0x18: {  	s0 =	sld [smem:$0x3F9F];
	_ =	swait.ge [sflag:s4], $0x0  }
0x19: {  	s7 =	sld [smem:$0x3FA0]  }
0x1a: {  	s8 =	sadd.s32 $0xFFFFE003, lr  }
0x1b: {  	s9 =	sadd.s32 $0xFFFFFEF7, lr;
	s5 =	simm.s32 $0xFFFFFFFF;
	p2 =	slt.u32 s8, $0xFFFFF086  }
0x1c: {  	p1 =	slt.u32 s9, $0xF7A;
	s5 =	simm.s32 @!p2 $0x0  }
0x1d: {  	s5 =	simm.s32 @p1 $0x1;
	p0 =	seq.s32 s7, s2  }
0x1e: {  	s7 =	smul.u32 @!p0 $0xF7A, s2;
	p2 =	seq.s32 @!p0 s5, $0x0  }
0x1f: {  	s9 =	smul.u32 $0xF7A, s1;
	s8 =	simm.s32 @!p0 $0x1BF5;
	p2 =	por !p2, p0  }
0x20: {  	[sflag:s8] =	ssyncset.s32 @!p0 $0xFFFFF086;
	s6 =	sadd.s32 @!p0 s3, s7;
	s7 =	simm.s32 @!p0 $0x108  }
0x21: {  	s3 =	sadd.s32 s3, s9;
	s6 =	sadd.s32 @!p0 $0x88, s6;
	s7 =	simm.s32 @p2 $0x1082  }
0x22: {  	[simem:s7], [sflag:s8] =	dma.local @!p0 [hbm:s6], $0xF7A  }
0x23: {  	s9 =	sor.u32 $0xD0000000, s2;
	s6 =	simm.s32 $0x108;
	_ =	swait.ge @!p0 [sflag:s8], $0x0  }
0x24: {  	s3 =	sadd.s32 $0x88, s3;
	s6 =	simm.s32 @!p1 $0x1082;
	[sflag:s4] =	ssyncset.s32 $0xFFFFF086  }
0x25: {  	[simem:s6], [sflag:s4] =	dma.local [hbm:s3], $0xF7A  }
0x26: {  	[smem:$0x3FA0] =	sst s1;
	(tag) =	ssettag s2;
	_ =	strace s9  }
0x27: {  	s1 =	sld [smem:$0x3FB0]  }
0x28: {  	s2 =	sld [smem:$0x3FB1]  }
0x29: {  	s4 =	sld [smem:$0x3FB3]  }
0x2a: {  	p0 =	seq.s32 s5, $0x0;
	s5 =	sld [smem:$0x3FB4]  }
0x2b: {  	s6 =	sld [smem:$0x3FB5]  }
0x2c: {  	s7 =	sld [smem:$0x3FB6]  }
0x2d: {  	s3 =	simm.s32 $0x108;
	s8 =	sld [smem:$0x3FB7]  }
0x2e: {  	s3 =	simm.s32 @!p0 $0x1082;
	s9 =	sld [smem:$0x3FB8]  }
0x2f: {  	lr =	sadd.s32 s0, s3;
	s0 =	sld [smem:$0x3FAF]  }
0x30: {  	s3 =	sld [smem:$0x3FB2]  }
0x31: {  	[smem:$0x3FBB] =	sst s10  }
0x32: {  	s10 =	sld [smem:$0x3FB9];
	_ =	sdelay $0x3  }
0x33: {  	p0 =	seq.s32 s10, $0x1;
	s10 =	sld [smem:$0x3FBB];
	_ =	sdelay $0x3  }
0x34: {  	[smem:$0x3FBB] =	sst s10  }
0x35: {  	s10 =	sld [smem:$0x3FBA];
	_ =	sdelay $0x3  }
0x36: {  	p1 =	seq.s32 s10, $0x1;
	s10 =	sld [smem:$0x3FBB];
	_ =	sdelay $0x3  }
0x37: {  	[smem:$0x3FBB] =	sst s10  }
0x38: {  	s10 =	sld [smem:$0x3FBC]  }
0x39: {  	_ = 	snop;
	(pc) =	sbr.ind lr, $3  }
0x3a: {  	_ = 	snop  }
0x3b: {  	_ = 	snop  }
0x3c: {  	p2 =	seq.s32 s10, $0x1;
	s10 =	sld [smem:$0x3FBB]  }
0x3d: {  	_ =	shalt  }
0x3e: {  	_ =	shalt  }
0x3f: {  	_ =	shalt  }
0x40: {  	_ =	shalt  }
0x41: {  	_ =	shalt  }
0x42: {  	_ =	shalt  }
0x43: {  	_ =	shalt  }
0x44: {  	_ =	shalt  }
0x45: {  	_ =	shalt  }
0x46: {  	_ =	shalt  }
0x47: {  	_ =	shalt  }
0x48: {  	_ =	shalt  }
0x49: {  	_ =	shalt  }
0x4a: {  	_ =	shalt  }
0x4b: {  	_ =	shalt  }
0x4c: {  	_ =	shalt  }
0x4d: {  	_ =	shalt  }
0x4e: {  	_ =	shalt  }
0x4f: {  	_ =	shalt  }
0x50: {  	_ =	shalt  }
0x51: {  	_ =	shalt  }
0x52: {  	_ =	shalt  }
0x53: {  	_ =	shalt  }
0x54: {  	_ =	shalt  }
0x55: {  	_ =	shalt  }
0x56: {  	_ =	shalt  }
0x57: {  	_ =	shalt  }
0x58: {  	_ =	shalt  }
0x59: {  	_ =	shalt  }
0x5a: {  	_ =	shalt  }
0x5b: {  	_ =	shalt  }
0x5c: {  	_ =	shalt  }
0x5d: {  	_ =	shalt  }
0x5e: {  	_ =	shalt  }
0x5f: {  	_ =	shalt  }
0x60: {  	_ =	shalt  }
0x61: {  	_ =	shalt  }
0x62: {  	_ =	shalt  }
0x63: {  	_ =	shalt  }
0x64: {  	_ =	shalt  }
0x65: {  	_ =	shalt  }
0x66: {  	_ =	shalt  }
0x67: {  	_ =	shalt  }
0x68: {  	_ =	shalt  }
0x69: {  	_ =	shalt  }
0x6a: {  	_ =	shalt  }
0x6b: {  	_ =	shalt  }
0x6c: {  	_ =	shalt  }
0x6d: {  	_ =	shalt  }
0x6e: {  	_ =	shalt  }
0x6f: {  	_ =	shalt  }
0x70: {  	_ =	shalt  }
0x71: {  	_ =	shalt  }
0x72: {  	_ =	shalt  }
0x73: {  	_ =	shalt  }
0x74: {  	_ =	shalt  }
0x75: {  	_ =	shalt  }
0x76: {  	_ =	shalt  }
0x77: {  	_ =	shalt  }
0x78: {  	_ =	shalt  }
0x79: {  	_ =	shalt  }
0x7a: {  	_ =	shalt  }
0x7b: {  	_ =	shalt  }
0x7c: {  	_ =	shalt  }
0x7d: {  	_ =	shalt  }
0x7e: {  	_ =	shalt  }
0x7f: {  	_ =	shalt  }
0x80: {  	_ =	shalt  }
0x81: {  	_ =	shalt  }
0x82: {  	_ =	shalt  }
0x83: {  	_ =	shalt  }
0x84: {  	_ =	shalt  }
0x85: {  	_ =	shalt  }
0x86: {  	_ =	shalt  }
0x87: {  	_ =	shalt  }
.Lfunc_end0:
.L_simem_size_0:
called_computation_lowered:
.L_overlay_start_0:
0x88: {  	s2 =	sld [smem:$0x3FD9]  }
0x89: {  	s3 =	sld [smem:$0x3FFE];
	_ =	sdelay $0x1  }
0x8a: {  	s1 =	srdreg.scid  }
0x8b: {  	s0 =	sand.u32 $0x1, s1  }
0x8c: {  	s17 =	sshll.u32 s0, $0xA;
	s2 =	sadd.s32 s3, s2  }
0x8d: {  	s2 =	sadd.s32 s2, s17  }
0x8e: {  	[smem:$0x3FC7] =	sst s2  }
0x8f: {  	_ = 	snop  }
0x90: {  	s2 =	sld [smem:$0x3FC9];
	(tm) =	ssettm $0x1  }
0x91: {  	s18 =	sld [smem:$0x3FFB];
	_ =	sdelay $0x3  }
0x92: {  	_ =	strace s18  }
0x93: {  	s3 =	sld [smem:$0x3FFC];
	_ =	sdelay $0x3  }
0x94: {  	_ =	strace s3  }
0x95: {  	s3 =	sld [smem:$0x3FFD];
	_ =	sdelay $0x3  }
0x96: {  	_ =	strace s3  }
0x97: {  	_ =	strace $0x8FFFFFFF  }
0x98: {  	s19 =	sld [smem:$0x3FDB];
	_ =	sdelay $0x1  }
0x99: {  	s4 =	simm.s32 $_scs_section_size  }
0x9a: {  	s5 =	simm.s32 $_size__tile_overlayer_lowered;
	s6 =	simm.s32 $_tile_overlayer_lowered  }
0x9b: {  	s22 =	simm.s32 $0x1BFF;
	s21 =	sshll.u32 s6, $0x1;
	s3 =	sadd.s32 s4, s19  }
0x9c: {  	s7 =	simm.s32 $0x0;
	s20 =	sshll.u32 s5, $0x1;
	s5 =	sadd.s32 s21, s3  }
0x9d: {  	[timem:s7], [sflag:s22] =	dma.local [hbm:s5], s20  }
0x9e: {  	_ =	swait.ge [sflag:s22], s20  }
0x9f: {  	s4 =	ssub.s32 $0x0, s20;
	[sflag:s22] =	ssyncset.done $0x0  }
0xa0: {  	[sflag:s22] =	ssyncadd.s32 s4;
	_ =	sdelay $0x1  }
0xa1: {  	s23 =	simm.s32 $0x1B8B  }
0xa2: {  	_ =	swait.ge [sflag:s23], $0x1  }
0xa3: {  	[sflag:s23] =	ssyncset.done $0x0  }
0xa4: {  	s25 =	simm.s32 $0x1B8E;
	s24 =	sld [smem:$0x3FFE];
	[sflag:s23] =	ssyncadd.s32 $0xFFFFFFFF  }
0xa5: {  	s26 =	simm.s32 $execute0_lowered;
	[smem:$0x3FD2] =	sst s25  }
0xa6: {  	s5 =	sshll.u32 s26, $0x1;
	_ =	strace $0x80000046;
	[dreg:$0x1] =	wrdreg $0xFFFFFFFF  }
0xa7: {  	s28 =	simm.s32 $_size_execute0_lowered;
	s3 =	sadd.s32 s3, s5;
	[dreg:$0x0] =	wrdreg $0x0  }
0xa8: {  	s5 =	sshll.u32 s28, $0x1;
	[dreg:$0x2] =	wrdreg s3  }
0xa9: {  	[dreg:$0x3] =	wrdreg s5  }
0xaa: {  	[dreg:$0x4] =	wrdreg $0xC0  }
0xab: {  	_ =	task [dreg:s7], $0x5FFFF  }
0xac: {  	[dreg:$0x1] =	wrdreg $0xFFFFFFFF  }
0xad: {  	[dreg:$0x0] =	wrdreg $0x60  }
0xae: {  	[dreg:$0x2] =	wrdreg s2  }
0xaf: {  	[dreg:$0x3] =	wrdreg s24  }
0xb0: {  	[dreg:$0x4] =	wrdreg $0x9  }
0xb1: {  	_ =	task.clear_ibuf [dreg:s7], $0x5FFFF;
	_ =	strace $0x90000046  }
0xb2: {  	s29 =	simm.s32 $0x9;
	_ =	strace $0x80000048  }
0xb3: {  	_ =	swait.ge [sflag:s29], $0x1  }
0xb4: {  	[sflag:s29] =	ssyncadd.s32 $0xFFFFFFFF  }
0xb5: {  	_ =	strace $0x90000048  }
0xb6: {  	_ =	sfence  }
0xb7: {  	s30 =	sld [smem:$0x0];
	_ =	sdelay $0x2  }
0xb8: {  	s31 =	sshll.u32 s1, $0xD;
	s1 =	sshrl.u32 s1, $0x2  }
0xb9: {  	s3 =	sand.u32 $0x4000, s31;
	s1 =	sadd.s32 s1, s30  }
0xba: {  	s0 =	sor.u32 s3, s0;
	s1 =	sshll.u32 s1, $0x11  }
0xbb: {  	s0 =	sor.u32 s1, s0  }
0xbc: {  	s0 =	sadd.s32 $0x8F2B, s0  }
0xbd: {  	[sflag:s0] =	ssyncadd.remote.s32 $0x1  }
0xbe: {  	_ =	sfence.sel $0xFFFF  }
0xbf: {  	[dreg:$0x0] =	wrdreg $0xFFFFFFFF;
	(pc) =	sbr.abs _section_cstart, $3  }
0xc0: {  	[dreg:$0x1] =	wrdreg $0xFFFFFFFF  }
0xc1: {  	_ =	task.clear_ibuf [dreg:s7], $0x2FFFF;
	_ =	strace $0x9FFFFFFF  }
0xc2: {  	(tm) =	ssettm $0x7FFFFFFF  }
0xc3: {  	_ =	shalt  }
tec
execute0_lowered:
.L_overlay_start_1:
0x0: {  	(tag) =	ssettag $0x1  }
0x1: {  	s6 =	rddreg [dreg:$0x0]  }
0x2: {  	s3 =	rddreg [dreg:$0x1]  }
0x3: {  	s4 =	srdreg.scid;
	s0 =	stileid.u32;
	s2 =	simm.s32 $0x0  }
0x4: {  	s11 =	simm.s32 $0x3;
	s12 =	simm.s32 $0x4;
	s14 =	simm.s32 $0x5  }
0x5: {  	s4 =	sand.u32 $0x1, s4;
	s5 =	sshll.u32 s0, $0x1;
	[smem:$0x7FF] =	sst s2  }
0x6: {  	s15 =	simm.s32 $0x0;
	s5 =	sor.u32 s4, s5;
	_ =	strace $0x80000047  }
0x7: {  	s8 =	ssub.s32 $0x2, s4;
	s4 =	sshll.u32 s4, $0x8;
	s7 =	sshll.u32 s5, $0x4  }
0x8: {  	s5 =	sshll.u32 s5, $0x10;
	s25 =	sshrl.u32 s8, $0x1;
	s28 =	sor.u32 $0x80, s4  }
0x9: {  	s9 =	sand.u32 $0x1E0000, s5;
	s7 =	sadd.s32 s7, s3;
	s8 =	ssub.s32 s8, s25  }
0xa: {  	s10 =	sor.u32 s4, s9;
	s4 =	sor.u32 s4, s5;
	s5 =	sor.u32 s28, s5  }
0xb: {  	s9 =	sor.u32 s28, s9;
	s30 =	sadd.s32 $0x400, s7;
	s31 =	smax.u32 s8, $0x1  }
.Ltmp0:
0xc: {  	s26 =	sshrl.u32 s10, $0x3;
	s4 =	sshrl.u32 s4, $0x3;
	(pc) =	sbr.rel .LBB2_1-.Ltmp0, $4  }
0xd: {  	s5 =	sshrl.u32 s5, $0x3;
	s9 =	sshrl.u32 s9, $0x3;
	[dreg:$0x3] =	wrdreg s30  }
0xe: {  	[dreg:$0x4] =	wrdreg s31;
	s10 =	simm.s32 $0x2;
	s3 =	sadd.s32 s6, s26  }
0xf: {  	v0 =	vimm.s32 $0x80000000;
	v1 =	vimm.s32 $0x7FF;
	s4 =	sor.u32 $0x2000, s4;
	s29 =	sor.u32 $0x2000, s5;
	s5 =	sadd.s32 s6, s9  }
0x10: {  	vm0 =	vcmask $0x300;
	vm1 =	vcmask $0x704;
	v2 =	vlaneseq.u32;
	s9 =	simm.s32 $0x1;
	s4 =	sadd.s32 s6, s4;
	s6 =	sadd.s32 s6, s29  }
.LBB2_36:
0x11: {  	s0 =	sld [smem:$0x7CC]  }
0x12: {  	s8 =	sld [smem:$0x7CB]  }
0x13: {  	s21 =	simm.s32 $0x1;
	s13 =	sld [smem:$0x7CE]  }
0x14: {  	s20 =	simm.s32 $0x1;
	s22 =	sld [smem:$0x7CD];
	p2 =	seq.s32 s0, $0x1  }
0x15: {  	s23 =	sld [smem:$0x7D0];
	s21 =	simm.s32 @!p2 $0x0;
	p2 =	seq.s32 s8, $0x1  }
0x16: {  	s24 =	sld [smem:$0x7CF];
	s20 =	simm.s32 @!p2 $0x0;
	p2 =	seq.s32 s13, $0x1  }
0x17: {  	s25 =	sld [smem:$0x7D2];
	s21 =	simm.s32 @p2 $0x2;
	p2 =	seq.s32 s22, $0x1  }
0x18: {  	s26 =	sld [smem:$0x7D1];
	s20 =	simm.s32 @p2 $0x2;
	p2 =	seq.s32 s23, $0x1  }
0x19: {  	s28 =	sld [smem:$0x7D4];
	s21 =	simm.s32 @p2 $0x3;
	p2 =	seq.s32 s24, $0x1  }
0x1a: {  	s29 =	sld [smem:$0x7D3];
	s20 =	simm.s32 @p2 $0x3;
	p2 =	seq.s32 s25, $0x1  }
0x1b: {  	s30 =	sld [smem:$0x7D6];
	s21 =	simm.s32 @p2 $0x4;
	p2 =	seq.s32 s26, $0x1  }
0x1c: {  	s31 =	sld [smem:$0x7D5];
	s20 =	simm.s32 @p2 $0x4;
	p2 =	seq.s32 s28, $0x1  }
0x1d: {  	s1 =	sld [smem:$0x7D8];
	s21 =	simm.s32 @p2 $0x5;
	p2 =	seq.s32 s29, $0x1  }
0x1e: {  	s7 =	sld [smem:$0x7D7];
	s20 =	simm.s32 @p2 $0x5;
	p2 =	seq.s32 s30, $0x1  }
0x1f: {  	s8 =	sld [smem:$0x7DA];
	s21 =	simm.s32 @p2 $0x6;
	p2 =	seq.s32 s31, $0x1  }
0x20: {  	s13 =	sld [smem:$0x7D9];
	s20 =	simm.s32 @p2 $0x6;
	p2 =	seq.s32 s1, $0x1  }
0x21: {  	s22 =	sld [smem:$0x7DC];
	s21 =	simm.s32 @p2 $0x7;
	p2 =	seq.s32 s7, $0x1  }
0x22: {  	s23 =	sld [smem:$0x7DB];
	s20 =	simm.s32 @p2 $0x7;
	p2 =	seq.s32 s8, $0x1  }
0x23: {  	s24 =	sld [smem:$0x7DE];
	s21 =	simm.s32 @p2 $0x8;
	p2 =	seq.s32 s13, $0x1  }
0x24: {  	s25 =	sld [smem:$0x7DD];
	s20 =	simm.s32 @p2 $0x8;
	p2 =	seq.s32 s22, $0x1  }
0x25: {  	s26 =	sld [smem:$0x7E0];
	s21 =	simm.s32 @p2 $0x9;
	p2 =	seq.s32 s23, $0x1  }
0x26: {  	s28 =	sld [smem:$0x7DF];
	s20 =	simm.s32 @p2 $0x9;
	p2 =	seq.s32 s24, $0x1  }
0x27: {  	s29 =	sld [smem:$0x7E2];
	s21 =	simm.s32 @p2 $0xA;
	p2 =	seq.s32 s25, $0x1  }
0x28: {  	s30 =	sld [smem:$0x7E1];
	s20 =	simm.s32 @p2 $0xA;
	p2 =	seq.s32 s26, $0x1  }
0x29: {  	s31 =	sld [smem:$0x7E3];
	s21 =	simm.s32 @p2 $0xB;
	p2 =	seq.s32 s28, $0x1  }
0x2a: {  	s20 =	simm.s32 @p2 $0xB;
	p2 =	seq.s32 s29, $0x1  }
0x2b: {  	s21 =	simm.s32 @p2 $0xC;
	p2 =	seq.s32 s30, $0x1  }
0x2c: {  	s20 =	simm.s32 @p2 $0xC;
	s21 =	simm.s32 @p0 $0xD;
	p0 =	seq.s32 s31, $0x1  }
0x2d: {  	s20 =	simm.s32 @p0 $0xD  }
0x2e: {  	s21 =	simm.s32 @p1 $0xE;
	s20 =	simm.s32 @p4 $0xE  }
0x2f: {  	s21 =	simm.s32 @p6 $0xF;
	s20 =	simm.s32 @p5 $0xF  }
.LBB2_33:
0x30: {  	s0 =	sadd.s32 $0x7FF0, s16;
	s1 =	sshll.u32 s18, $0x4  }
0x31: {  	s28 =	sshll.u32 s19, $0x4;
	v3 =	vmov s0;
	s26 =	sand.u32 $0xFFFF0, s1  }
0x32: {  	s7 =	sadd.s32 $0x7FF0, s17;
	s1 =	sand.u32 $0xFFFF0, s28;
	v3 =	vnsel vm0, $0x0, v3;
	s0 =	ssub.s32 s20, s26  }
0x33: {  	vm2 =	veq.s32 v2, $0x2;
	s1 =	ssub.s32 s21, s1;
	v3 =	vsel vm1, s7, v3;
	s0 =	sadd.s32 $0x7FF0, s0  }
0x34: {  	s1 =	sadd.s32 $0x7FF0, s1;
	v3 =	vsel vm2, s0, v3;
	vm2 =	veq.s32 v2, $0x3  }
0x35: {  	v3 =	vsel vm2, s1, v3  }
0x36: {  	s29 =	rddreg [dreg:$0x3];
	s30 =	simm.s32 $0x10000;
	[tilespmem:$0x10000] =	vst v3  }
0x37: {  	[hbm4b:s29+s2] =	stream.linear.scatter [tilespmem:s30], [sflag:$0x5], $0x80, $0x38;
	[tilespmem:$0x10080] =	vst v63  }
0x38: {  	_ =	swait.ge [sflag:s14], $0x80  }
0x39: {  	s15 =	sadd.s32 $0x1, s15;
	s31 =	rddreg [dreg:$0x4]  }
0x3a: {  	p0 =	sne.s32 s15, s31  }
.Ltmp1:
0x3b: {  	_ = 	snop;
	(pc) =	sbr.rel @!p0 .LBB2_34-.Ltmp1, $3  }
0x3c: {  	_ =	sdelay $0x1  }
0x3d: {  	[sflag:s14] =	ssyncset.done $0x0  }
0x3e: {  	[sflag:s14] =	ssyncadd.s32 $0xFFFFFF80  }
.LBB2_1:
0x3f: {  	s16 =	simm.s32 $0x40  }
0x40: {  	s19 =	sadd.s32 $0x0, s3;
	s17 =	simm.s32 $0x100;
	s18 =	simm.s32 $0x0  }
.LBB2_2:
0x41: {  	[tilespmem:s18], [sflag:$0x1] =	stream.linear.gather [hbm4b:s19+s2], $0x80, $0x38;
	[tilespmem:$0x10080] =	vst v63  }
0x42: {  	s19 =	smov.u32 s16;
	s18 =	smov.u32 s17;
	p0 =	sne.s32 s16, $0x1FC0  }
.Ltmp2:
0x43: {  	s16 =	sadd.s32 $0x40, s16;
	(pc) =	sbr.rel @p0 .LBB2_2-.Ltmp2, $2  }
0x44: {  	_ =	sdelay $0x2  }
0x45: {  	s17 =	sadd.s32 $0x100, s17;
	s19 =	sadd.s32 s19, s3  }
0x46: {  	[tilespmem:s18], [sflag:$0x1] =	stream.linear.gather [hbm4b:s19+s2], $0x80, $0x38;
	[tilespmem:$0x10080] =	vst v63  }
0x47: {  	s16 =	simm.s32 $0x8000  }
0x48: {  	s17 =	simm.s32 $0x40;
	s19 =	sadd.s32 $0x0, s4;
	s18 =	simm.s32 $0x8100  }
.LBB2_4:
0x49: {  	[tilespmem:s16], [sflag:$0x2] =	stream.linear.gather [hbm4b:s19+s2], $0x80, $0x38;
	[tilespmem:$0x10080] =	vst v63  }
0x4a: {  	s19 =	smov.u32 s17;
	s16 =	smov.u32 s18;
	p0 =	sne.s32 s17, $0x1FC0  }
.Ltmp3:
0x4b: {  	s17 =	sadd.s32 $0x40, s17;
	(pc) =	sbr.rel @p0 .LBB2_4-.Ltmp3, $2  }
0x4c: {  	_ =	sdelay $0x2  }
0x4d: {  	s18 =	sadd.s32 $0x100, s18;
	s19 =	sadd.s32 s19, s4  }
0x4e: {  	[tilespmem:s16], [sflag:$0x2] =	stream.linear.gather [hbm4b:s19+s2], $0x80, $0x38;
	[tilespmem:$0x10080] =	vst v63  }
0x4f: {  	s16 =	simm.s32 $0x80  }
0x50: {  	s17 =	simm.s32 $0x40;
	s19 =	sadd.s32 $0x0, s5;
	s18 =	simm.s32 $0x180  }
.LBB2_6:
0x51: {  	[tilespmem:s16], [sflag:$0x3] =	stream.linear.gather [hbm4b:s19+s2], $0x80, $0x38;
	[tilespmem:$0x10080] =	vst v63  }
0x52: {  	s19 =	smov.u32 s17;
	s16 =	smov.u32 s18;
	p0 =	sne.s32 s17, $0x1FC0  }
.Ltmp4:
0x53: {  	s17 =	sadd.s32 $0x40, s17;
	(pc) =	sbr.rel @p0 .LBB2_6-.Ltmp4, $2  }
0x54: {  	_ =	sdelay $0x2  }
0x55: {  	s18 =	sadd.s32 $0x100, s18;
	s19 =	sadd.s32 s19, s5  }
0x56: {  	[tilespmem:s16], [sflag:$0x3] =	stream.linear.gather [hbm4b:s19+s2], $0x80, $0x38;
	[tilespmem:$0x10080] =	vst v63  }
0x57: {  	s16 =	simm.s32 $0x8080  }
0x58: {  	s17 =	simm.s32 $0x40;
	s19 =	sadd.s32 $0x0, s6;
	s18 =	simm.s32 $0x8180  }
.LBB2_8:
0x59: {  	[tilespmem:s16], [sflag:$0x4] =	stream.linear.gather [hbm4b:s19+s2], $0x80, $0x38;
	[tilespmem:$0x10080] =	vst v63  }
0x5a: {  	s19 =	smov.u32 s17;
	s16 =	smov.u32 s18;
	p0 =	sne.s32 s17, $0x1FC0  }
.Ltmp5:
0x5b: {  	s17 =	sadd.s32 $0x40, s17;
	(pc) =	sbr.rel @p0 .LBB2_8-.Ltmp5, $2  }
0x5c: {  	_ =	sdelay $0x2  }
0x5d: {  	s18 =	sadd.s32 $0x100, s18;
	s19 =	sadd.s32 s19, s6  }
0x5e: {  	[tilespmem:s16], [sflag:$0x4] =	stream.linear.gather [hbm4b:s19+s2], $0x80, $0x38;
	[tilespmem:$0x10080] =	vst v63  }
0x5f: {  	_ =	swait.ge [sflag:s9], $0x4000  }
0x60: {  	s16 =	simm.s32 $0x0;
	[sflag:s9] =	ssyncset.done $0x0  }
0x61: {  	s17 =	simm.s32 $0x4030;
	s18 =	simm.s32 $0x0;
	[sflag:s9] =	ssyncadd.s32 $0xFFFFC000  }
0x62: {  	s20 =	simm.s32 $0x8060;
	s18 =	sand.u32 $0x40, s18;
	_ =	swait.ge [sflag:s10], $0x4000  }
0x63: {  	s23 =	sand.u32 $0x7F00, s16;
	s17 =	sand.u32 $0x70, s17;
	[sflag:s10] =	ssyncset.done $0x0  }
0x64: {  	s24 =	sand.u32 $0xFF00, s20;
	s18 =	sor.u32 s18, s23;
	[sflag:s10] =	ssyncadd.s32 $0xFFFFC000  }
0x65: {  	s25 =	simm.s32 $0x4020;
	s21 =	simm.s32 $0x8040;
	s17 =	sor.u32 s17, s24;
	v6 =	vld [tilespmem:s18+$0x30]  }
0x66: {  	s26 =	sand.u32 $0x60, s25;
	s28 =	sand.u32 $0xFF00, s21;
	v7 =	vld [tilespmem:s17+$0x0]  }
0x67: {  	s19 =	sor.u32 s26, s28;
	v8 =	vld [tilespmem:s18+$0x20]  }
0x68: {  	v11 =	vimm.s32 $0x7FF;
	v9 =	vld [tilespmem:s19+$0x0]  }
0x69: {  	v5 =	vimm.s32 $0x80000000;
	v3 =	vimm.s32 $0x3FF;
	v13 =	vadd.s32 $0xFFFFFFFD, v11;
	v10 =	vld [tilespmem:s18+$0x10]  }
0x6a: {  	s29 =	simm.s32 $0x4010;
	s30 =	simm.s32 $0x8020;
	v4 =	vadd.s32 $0xFFFFFFFC, v11;
	v15 =	vadd.s32 $0xFFFFFFFE, v11;
	v16 =	vadd.s32 $0xFFFFFFFE, v3;
	v14 =	vld [tilespmem:s18+$0x0]  }
0x6b: {  	s31 =	sand.u32 $0xFF00, s30;
	v17 =	vadd.s32 $0xFFFFFFFD, v3;
	v18 =	vadd.s32 $0xFFFFFFFF, v11;
	v19 =	vadd.s32 $0xFFFFFFFF, v3;
	s17 =	sand.u32 $0x50, s29;
	v20 =	vld [tilespmem:s18+$0x8000]  }
0x6c: {  	s17 =	sor.u32 s17, s31;
	v21 =	vshll.u32 v6, $0x10;
	v6 =	vand.u32 $0xFFFF0000, v6;
	v22 =	vshll.u32 v7, $0x10  }
0x6d: {  	v12 =	vld [tilespmem:s17+$0x0];
	v7 =	vand.u32 $0xFFFF0000, v7;
	v23 =	vshll.u32 v8, $0x10;
	v8 =	vand.u32 $0xFFFF0000, v8  }
0x6e: {  	v24 =	vshll.u32 v9, $0x10;
	v25 =	vshll.u32 v10, $0x10;
	v26 =	vand.u32 $0xFFFF0000, v10  }
0x6f: {  	v27 =	vand.u32 $0xFFFF0000, v9;
	v9 =	vshll.u32 v14, $0x10;
	v30 =	vand.u32 $0xFFFF0000, v14  }
0x70: {  	v31 =	vshll.u32 v20, $0x10;
	v32 =	vand.u32 $0xFFFF0000, v20;
	v9 =	vor.u32 v11, v9  }
0x71: {  	v21 =	vor.u32 v13, v21;
	v6 =	vor.u32 v13, v6;
	v10 =	vor.u32 v17, v22  }
0x72: {  	v7 =	vor.u32 v17, v7;
	v28 =	vshll.u32 v12, $0x10;
	vm2 =	vgt.s32 v5, v9  }
0x73: {  	v29 =	vand.u32 $0xFFFF0000, v12;
	v12 =	vor.u32 v18, v25;
	v9 =	vsel vm2, v5, v9  }
0x74: {  	v20 =	vor.u32 v15, v23;
	v14 =	vor.u32 v16, v24;
	vm2 =	vgt.s32 v9, v12  }
0x75: {  	v17 =	vor.u32 v19, v28;
	v13 =	vsel vm2, v9, v12;
	v9 =	vor.u32 v15, v8  }
0x76: {  	v12 =	vor.u32 v16, v27;
	v15 =	vor.u32 v18, v26;
	vm2 =	vgt.s32 v13, v20  }
0x77: {  	v18 =	vor.u32 v11, v30;
	v16 =	vor.u32 v19, v29;
	v8 =	vsel vm2, v13, v20  }
0x78: {  	v19 =	vor.u32 v3, v32;
	v11 =	vimm.s32 $0x80000000;
	vm2 =	vgt.s32 v8, v21  }
0x79: {  	s18 =	simm.s32 $0x4070;
	s17 =	simm.s32 $0x0;
	v20 =	vor.u32 v3, v31;
	v13 =	vimm.s32 $0x80000000;
	v8 =	vsel vm2, v8, v21  }
.LBB2_10:
0x7a: {  	s19 =	sadd.s32 $0xFFFFBFD0, s18;
	vm2 =	vgt.s32 v5, v18;
	vm3 =	vgt.s32 v13, v20;
	vm4 =	vgt.s32 v11, v19;
	s16 =	sadd.s32 $0x80, s16;
	v21 =	vmovc v4  }
0x7b: {  	s19 =	sand.u32 $0x40, s19;
	s20 =	sand.u32 $0x7F00, s16;
	s21 =	sadd.s32 $0x8060, s16;
	v5 =	vsel vm2, v5, v18;
	v13 =	vsel vm3, v13, v20;
	v11 =	vsel vm4, v11, v19  }
0x7c: {  	s19 =	sor.u32 s19, s20;
	s20 =	sand.u32 $0x70, s18;
	s21 =	sand.u32 $0xFF00, s21;
	vm2 =	vgt.s32 v5, v15;
	vm3 =	vgt.s32 v13, v17;
	vm4 =	vgt.s32 v11, v16  }
0x7d: {  	s22 =	sadd.s32 $0xFFFFFFF0, s18;
	s23 =	sadd.s32 $0x8040, s16;
	v18 =	vld [tilespmem:s19+$0x30];
	s20 =	sor.u32 s20, s21;
	v5 =	vsel vm2, v5, v15;
	v13 =	vsel vm3, v13, v17;
	v11 =	vsel vm4, v11, v16  }
0x7e: {  	s21 =	sand.u32 $0x60, s22;
	s22 =	sand.u32 $0xFF00, s23;
	v15 =	vld [tilespmem:s20+$0x0];
	vm2 =	vgt.s32 v5, v9;
	vm3 =	vgt.s32 v13, v14;
	vm4 =	vgt.s32 v11, v12  }
0x7f: {  	s23 =	sadd.s32 $0x8020, s16;
	s20 =	sadd.s32 $0xFFFFFFE0, s18;
	s21 =	sor.u32 s21, s22;
	v16 =	vld [tilespmem:s19+$0x20];
	v5 =	vsel vm2, v5, v9;
	v9 =	vsel vm3, v13, v14;
	v11 =	vsel vm4, v11, v12  }
0x80: {  	s22 =	sand.u32 $0xFF00, s23;
	s20 =	sand.u32 $0x50, s20;
	v12 =	vld [tilespmem:s21+$0x0];
	vm2 =	vgt.s32 v5, v6;
	vm3 =	vgt.s32 v9, v10;
	vm4 =	vgt.s32 v11, v7  }
0x81: {  	s20 =	sor.u32 s20, s22;
	v14 =	vld [tilespmem:s19+$0x10];
	v5 =	vsel vm2, v5, v6;
	v13 =	vsel vm3, v9, v10;
	v11 =	vsel vm4, v11, v7  }
0x82: {  	v4 =	vadd.s32 $0xFFFFFFFC, v4;
	v3 =	vadd.s32 $0xFFFFFFFC, v3;
	v7 =	vadd.s32 $0xFFFFFFFD, v21;
	v6 =	vld [tilespmem:s20+$0x0]  }
0x83: {  	v19 =	vadd.s32 $0xFFFFFFFE, v3;
	v20 =	vadd.s32 $0xFFFFFFFD, v3;
	v17 =	vadd.s32 $0xFFFFFFFE, v21;
	v9 =	vld [tilespmem:s19+$0x0]  }
0x84: {  	v22 =	vadd.s32 $0xFFFFFFFF, v21;
	v23 =	vadd.s32 $0xFFFFFFFF, v3;
	v24 =	vshll.u32 v18, $0x10;
	v10 =	vld [tilespmem:s19+$0x8000]  }
0x85: {  	v18 =	vand.u32 $0xFFFF0000, v18;
	v25 =	vshll.u32 v15, $0x10;
	v15 =	vand.u32 $0xFFFF0000, v15  }
0x86: {  	v26 =	vshll.u32 v16, $0x10;
	v16 =	vand.u32 $0xFFFF0000, v16;
	v27 =	vshll.u32 v12, $0x10  }
0x87: {  	v12 =	vand.u32 $0xFFFF0000, v12;
	v28 =	vshll.u32 v14, $0x10;
	v29 =	vand.u32 $0xFFFF0000, v14  }
0x88: {  	s17 =	sadd.s32 $0x4, s17;
	v30 =	vshll.u32 v6, $0x10;
	v31 =	vand.u32 $0xFFFF0000, v6;
	v14 =	vshll.u32 v9, $0x10  }
0x89: {  	p0 =	slt.u32 s17, $0x3FC;
	v32 =	vand.u32 $0xFFFF0000, v9;
	v6 =	vor.u32 v21, v14;
	v33 =	vshll.u32 v10, $0x10  }
0x8a: {  	v24 =	vor.u32 v7, v24;
	v34 =	vand.u32 $0xFFFF0000, v10;
	vm2 =	vgt.s32 v8, v6  }
0x8b: {  	v9 =	vor.u32 v22, v28;
	v8 =	vsel vm2, v8, v6;
	v6 =	vor.u32 v7, v18  }
0x8c: {  	v10 =	vor.u32 v20, v25;
	v7 =	vor.u32 v20, v15;
	vm2 =	vgt.s32 v8, v9  }
.Ltmp6:
0x8d: {  	v18 =	vor.u32 v17, v26;
	v8 =	vsel vm2, v8, v9;
	v9 =	vor.u32 v17, v16;
	(pc) =	sbr.rel @p0 .LBB2_10-.Ltmp6, $4  }
0x8e: {  	v12 =	vor.u32 v19, v12;
	v14 =	vor.u32 v19, v27;
	vm2 =	vgt.s32 v8, v18  }
0x8f: {  	v15 =	vor.u32 v22, v29;
	v17 =	vor.u32 v23, v30;
	v8 =	vsel vm2, v8, v18  }
0x90: {  	v16 =	vor.u32 v23, v31;
	v18 =	vor.u32 v21, v32;
	vm2 =	vgt.s32 v8, v24  }
0x91: {  	s18 =	sadd.s32 $0x40, s18;
	v19 =	vor.u32 v3, v34;
	v20 =	vor.u32 v3, v33;
	v8 =	vsel vm2, v8, v24  }
0x92: {  	vm2 =	vgt.s32 v13, v20  }
0x93: {  	v3 =	vsel vm2, v13, v20  }
0x94: {  	vm2 =	vgt.s32 v3, v17  }
0x95: {  	v3 =	vsel vm2, v3, v17  }
0x96: {  	vm2 =	vgt.s32 v3, v14  }
0x97: {  	v3 =	vsel vm2, v3, v14  }
0x98: {  	vm2 =	vgt.s32 v3, v10  }
0x99: {  	v3 =	vsel vm2, v3, v10  }
0x9a: {  	vm2 =	vgt.s32 v8, v3  }
0x9b: {  	v3 =	vsel vm2, v8, v3  }
0x9c: {  	(v2sf) =	vpush v3, $0x0  }
0x9d: {  	(v2sf) =	vpush v3, $0x1  }
0x9e: {  	(v2sf) =	vpush v3, $0x2  }
0x9f: {  	(v2sf) =	vpush v3, $0x3  }
0xa0: {  	(v2sf) =	vpush v3, $0x4  }
0xa1: {  	(v2sf) =	vpush v3, $0x5  }
0xa2: {  	vm3 =	vgt.s32 v11, v19;
	vm2 =	vgt.s32 v5, v18;
	(v2sf) =	vpush v3, $0x6  }
0xa3: {  	v63 =	vsel vm3, v11, v19;
	v4 =	vsel vm2, v5, v18;
	(v2sf) =	vpush v3, $0x7  }
0xa4: {  	vm3 =	vgt.s32 v63, v16;
	vm2 =	vgt.s32 v4, v15;
	(v2sf) =	vpush v3, $0x8  }
0xa5: {  	v5 =	vsel vm3, v63, v16;
	v4 =	vsel vm2, v4, v15;
	(v2sf) =	vpush v3, $0x9  }
0xa6: {  	vm3 =	vgt.s32 v5, v12;
	vm2 =	vgt.s32 v4, v9;
	(v2sf) =	vpush v3, $0xA  }
0xa7: {  	v5 =	vsel vm3, v5, v12;
	v4 =	vsel vm2, v4, v9;
	(v2sf) =	vpush v3, $0xB  }
0xa8: {  	vm3 =	vgt.s32 v5, v7;
	vm2 =	vgt.s32 v4, v6;
	(v2sf) =	vpush v3, $0xC  }
0xa9: {  	v5 =	vsel vm3, v5, v7;
	v4 =	vsel vm2, v4, v6;
	(v2sf) =	vpush v3, $0xD  }
0xaa: {  	vm2 =	vgt.s32 v4, v5;
	(v2sf) =	vpush v3, $0xE  }
0xab: {  	v4 =	vsel vm2, v4, v5;
	s16 =	spop (v2sf);
	(v2sf) =	vpush v3, $0xF  }
0xac: {  	s24 =	spop (v2sf);
	(v2sf) =	vpush v4, $0x0  }
0xad: {  	s25 =	spop (v2sf);
	(v2sf) =	vpush v4, $0x1  }
0xae: {  	s26 =	spop (v2sf)  }
0xaf: {  	s28 =	spop (v2sf)  }
0xb0: {  	s29 =	spop (v2sf)  }
0xb1: {  	(v2sf) =	vpush v4, $0x2;
	s30 =	spop (v2sf)  }
0xb2: {  	s31 =	spop (v2sf)  }
0xb3: {  	s0 =	spop (v2sf)  }
0xb4: {  	s1 =	spop (v2sf)  }
0xb5: {  	(v2sf) =	vpush v4, $0x3;
	s23 =	spop (v2sf)  }
0xb6: {  	s22 =	spop (v2sf)  }
0xb7: {  	s21 =	spop (v2sf)  }
0xb8: {  	s20 =	spop (v2sf)  }
0xb9: {  	(v2sf) =	vpush v4, $0x4;
	s19 =	spop (v2sf)  }
0xba: {  	s18 =	spop (v2sf)  }
0xbb: {  	p0 =	sgt.s32 s24, s16;
	s17 =	spop (v2sf)  }
0xbc: {  	s7 =	simm.s32 @!p0 $0x0;
	s13 =	spop (v2sf)  }
0xbd: {  	s7 =	simm.s32 @p0 $0x1;
	(v2sf) =	vpush v4, $0x5;
	p1 =	sgt.s32 s13, s17  }
0xbe: {  	s16 =	smov.u32 @p0 s24;
	[smem:$0x7E5] =	sst s7;
	s7 =	simm.s32 @!p1 $0x0  }
0xbf: {  	p0 =	sgt.s32 s25, s16;
	s17 =	smov.u32 @p1 s13;
	s7 =	simm.s32 @p1 $0x1  }
0xc0: {  	s13 =	spop (v2sf);
	[smem:$0x7E6] =	sst s7;
	s7 =	simm.s32 @!p0 $0x0  }
0xc1: {  	(v2sf) =	vpush v4, $0x6;
	p1 =	sgt.s32 s13, s17;
	s7 =	simm.s32 @p0 $0x1  }
0xc2: {  	s16 =	smov.u32 @p0 s25;
	[smem:$0x7E7] =	sst s7;
	s7 =	simm.s32 @!p1 $0x0  }
0xc3: {  	s17 =	smov.u32 @p1 s13;
	p0 =	sgt.s32 s26, s16;
	s7 =	simm.s32 @p1 $0x1  }
0xc4: {  	s13 =	spop (v2sf);
	[smem:$0x7E8] =	sst s7;
	s7 =	simm.s32 @!p0 $0x0  }
0xc5: {  	(v2sf) =	vpush v4, $0x7;
	p1 =	sgt.s32 s13, s17;
	s7 =	simm.s32 @p0 $0x1  }
0xc6: {  	s16 =	smov.u32 @p0 s26;
	[smem:$0x7E9] =	sst s7;
	s7 =	simm.s32 @!p1 $0x0  }
0xc7: {  	s17 =	smov.u32 @p1 s13;
	p0 =	sgt.s32 s28, s16;
	s7 =	simm.s32 @p1 $0x1  }
0xc8: {  	s13 =	spop (v2sf);
	[smem:$0x7EA] =	sst s7;
	s7 =	simm.s32 @!p0 $0x0  }
0xc9: {  	(v2sf) =	vpush v4, $0x8;
	s16 =	smov.u32 @p0 s28;
	s7 =	simm.s32 @p0 $0x1;
	p0 =	sgt.s32 s13, s17  }
0xca: {  	[smem:$0x7EB] =	sst s7;
	s7 =	simm.s32 @!p0 $0x0  }
0xcb: {  	s17 =	smov.u32 @p0 s13;
	s7 =	simm.s32 @p0 $0x1;
	p0 =	sgt.s32 s29, s16  }
0xcc: {  	s13 =	spop (v2sf);
	[smem:$0x7EC] =	sst s7;
	s7 =	simm.s32 @!p0 $0x0  }
0xcd: {  	(v2sf) =	vpush v4, $0x9;
	s16 =	smov.u32 @p0 s29;
	s7 =	simm.s32 @p0 $0x1;
	p0 =	sgt.s32 s13, s17  }
0xce: {  	[smem:$0x7ED] =	sst s7;
	s7 =	simm.s32 @!p0 $0x0  }
0xcf: {  	s17 =	smov.u32 @p0 s13;
	s7 =	simm.s32 @p0 $0x1;
	p0 =	sgt.s32 s30, s16  }
0xd0: {  	s13 =	spop (v2sf);
	[smem:$0x7EE] =	sst s7;
	s7 =	simm.s32 @!p0 $0x0  }
0xd1: {  	(v2sf) =	vpush v4, $0xA;
	s16 =	smov.u32 @p0 s30;
	s7 =	simm.s32 @p0 $0x1;
	p0 =	sgt.s32 s13, s17  }
0xd2: {  	[smem:$0x7EF] =	sst s7;
	s7 =	simm.s32 @!p0 $0x0  }
0xd3: {  	s17 =	smov.u32 @p0 s13;
	s7 =	simm.s32 @p0 $0x1;
	p0 =	sgt.s32 s31, s16  }
0xd4: {  	s13 =	spop (v2sf);
	[smem:$0x7F0] =	sst s7;
	s7 =	simm.s32 @!p0 $0x0  }
0xd5: {  	(v2sf) =	vpush v4, $0xB;
	s16 =	smov.u32 @p0 s31;
	s7 =	simm.s32 @p0 $0x1;
	p0 =	sgt.s32 s13, s17  }
0xd6: {  	[smem:$0x7F1] =	sst s7;
	s7 =	simm.s32 @!p0 $0x0  }
0xd7: {  	s17 =	smov.u32 @p0 s13;
	s7 =	simm.s32 @p0 $0x1;
	p0 =	sgt.s32 s0, s16  }
0xd8: {  	s13 =	spop (v2sf);
	[smem:$0x7F2] =	sst s7;
	s7 =	simm.s32 @!p0 $0x0  }
0xd9: {  	(v2sf) =	vpush v4, $0xC;
	s16 =	smov.u32 @p0 s0;
	s7 =	simm.s32 @p0 $0x1;
	p0 =	sgt.s32 s13, s17  }
0xda: {  	[smem:$0x7F3] =	sst s7;
	s0 =	simm.s32 @!p0 $0x0  }
0xdb: {  	s17 =	smov.u32 @p0 s13;
	s0 =	simm.s32 @p0 $0x1;
	p0 =	sgt.s32 s1, s16  }
0xdc: {  	[smem:$0x7F4] =	sst s0;
	s0 =	spop (v2sf);
	s7 =	simm.s32 @!p0 $0x0  }
0xdd: {  	(v2sf) =	vpush v4, $0xD;
	s16 =	smov.u32 @p0 s1;
	s7 =	simm.s32 @p0 $0x1;
	p0 =	sgt.s32 s0, s17  }
0xde: {  	s1 =	simm.s32 @!p0 $0x0  }
0xdf: {  	(v2sf) =	vpush v4, $0xE;
	s17 =	smov.u32 @p0 s0;
	s1 =	simm.s32 @p0 $0x1;
	p0 =	sgt.s32 s23, s16  }
0xe0: {  	s0 =	spop (v2sf);
	[smem:$0x7F6] =	sst s1;
	s1 =	simm.s32 @!p0 $0x0  }
0xe1: {  	(v2sf) =	vpush v4, $0xF;
	s16 =	smov.u32 @p0 s23;
	s1 =	simm.s32 @p0 $0x1;
	p0 =	sgt.s32 s0, s17  }
0xe2: {  	[smem:$0x7F7] =	sst s1;
	s1 =	simm.s32 @!p0 $0x0  }
0xe3: {  	s17 =	smov.u32 @p0 s0;
	s1 =	simm.s32 @p0 $0x1;
	p0 =	sgt.s32 s22, s16  }
0xe4: {  	s0 =	spop (v2sf);
	[smem:$0x7F8] =	sst s1;
	s1 =	simm.s32 @!p0 $0x0  }
0xe5: {  	s16 =	smov.u32 @p0 s22;
	s1 =	simm.s32 @p0 $0x1;
	p0 =	sgt.s32 s0, s17  }
0xe6: {  	[smem:$0x7F9] =	sst s1;
	s1 =	simm.s32 @!p0 $0x0  }
0xe7: {  	s17 =	smov.u32 @p0 s0;
	s1 =	simm.s32 @p0 $0x1;
	p0 =	sgt.s32 s21, s16  }
0xe8: {  	s0 =	spop (v2sf);
	[smem:$0x7FA] =	sst s1;
	s1 =	simm.s32 @!p0 $0x0  }
0xe9: {  	s16 =	smov.u32 @p0 s21;
	s1 =	simm.s32 @p0 $0x1;
	p0 =	sgt.s32 s0, s17  }
0xea: {  	[smem:$0x7FB] =	sst s1;
	s1 =	simm.s32 @!p0 $0x0  }
0xeb: {  	s17 =	smov.u32 @p0 s0;
	s1 =	simm.s32 @p0 $0x1;
	p0 =	sgt.s32 s20, s16  }
0xec: {  	s0 =	spop (v2sf);
	[smem:$0x7FC] =	sst s1;
	s1 =	simm.s32 @!p0 $0x0  }
0xed: {  	s16 =	smov.u32 @p0 s20;
	s1 =	simm.s32 @p0 $0x1;
	p0 =	sgt.s32 s0, s17  }
0xee: {  	p4 =	sgt.s32 s19, s16;
	s17 =	smov.u32 @p0 s0;
	s0 =	spop (v2sf)  }
0xef: {  	s16 =	smov.u32 @p4 s19;
	p1 =	sgt.s32 s0, s17  }
0xf0: {  	p5 =	sgt.s32 s18, s16;
	s17 =	smov.u32 @p1 s0;
	s0 =	spop (v2sf)  }
0xf1: {  	s16 =	smov.u32 @p5 s18;
	p6 =	sgt.s32 s0, s17  }
0xf2: {  	p2 =	slt.s32 s16, $0x10000;
	s17 =	smov.u32 @p6 s0  }
0xf3: {  	p3 =	slt.s32 @!p2 s17, $0x10000  }
0xf4: {  	p3 =	por p2, p3  }
.Ltmp7:
0xf5: {  	_ = 	snop;
	(pc) =	sbr.rel @p3 .LBB2_12-.Ltmp7, $3  }
0xf6: {  	_ =	sdelay $0x1  }
0xf7: {  	[smem:$0x7F5] =	sst s7  }
0xf8: {  	[smem:$0x7FD] =	sst s1  }
0xf9: {  	s0 =	sld [smem:$0x7E6]  }
0xfa: {  	s22 =	sld [smem:$0x7E5]  }
0xfb: {  	s20 =	simm.s32 $0x1;
	s23 =	sld [smem:$0x7E8]  }
0xfc: {  	s18 =	simm.s32 $0x1;
	s24 =	sld [smem:$0x7E7];
	p2 =	seq.s32 s0, $0x1  }
0xfd: {  	s25 =	sld [smem:$0x7EA];
	s20 =	simm.s32 @!p2 $0x0;
	p2 =	seq.s32 s22, $0x1  }
0xfe: {  	s26 =	sld [smem:$0x7E9];
	s18 =	simm.s32 @!p2 $0x0;
	p2 =	seq.s32 s23, $0x1  }
0xff: {  	s28 =	sld [smem:$0x7EC];
	s20 =	simm.s32 @p2 $0x2;
	p2 =	seq.s32 s24, $0x1  }
0x100: {  	s29 =	sld [smem:$0x7EB];
	s18 =	simm.s32 @p2 $0x2;
	p2 =	seq.s32 s25, $0x1  }
0x101: {  	s30 =	sld [smem:$0x7EE];
	s20 =	simm.s32 @p2 $0x3;
	p2 =	seq.s32 s26, $0x1  }
0x102: {  	s31 =	sld [smem:$0x7ED];
	s18 =	simm.s32 @p2 $0x3;
	p2 =	seq.s32 s28, $0x1  }
0x103: {  	s1 =	sld [smem:$0x7F0];
	s20 =	simm.s32 @p2 $0x4;
	p2 =	seq.s32 s29, $0x1  }
0x104: {  	s7 =	sld [smem:$0x7EF];
	s18 =	simm.s32 @p2 $0x4;
	p2 =	seq.s32 s30, $0x1  }
0x105: {  	s8 =	sld [smem:$0x7F2];
	s20 =	simm.s32 @p2 $0x5;
	p2 =	seq.s32 s31, $0x1  }
0x106: {  	s13 =	sld [smem:$0x7F1];
	s18 =	simm.s32 @p2 $0x5;
	p2 =	seq.s32 s1, $0x1  }
0x107: {  	s19 =	sld [smem:$0x7F4];
	s20 =	simm.s32 @p2 $0x6;
	p2 =	seq.s32 s7, $0x1  }
0x108: {  	s21 =	sld [smem:$0x7F3];
	s18 =	simm.s32 @p2 $0x6;
	p2 =	seq.s32 s8, $0x1  }
0x109: {  	s22 =	sld [smem:$0x7F6];
	s20 =	simm.s32 @p2 $0x7;
	p2 =	seq.s32 s13, $0x1  }
0x10a: {  	s23 =	sld [smem:$0x7F5];
	s18 =	simm.s32 @p2 $0x7;
	p2 =	seq.s32 s19, $0x1  }
0x10b: {  	s24 =	sld [smem:$0x7F8];
	s20 =	simm.s32 @p2 $0x8;
	p2 =	seq.s32 s21, $0x1  }
0x10c: {  	s25 =	sld [smem:$0x7F7];
	s18 =	simm.s32 @p2 $0x8;
	p2 =	seq.s32 s22, $0x1  }
0x10d: {  	s26 =	sld [smem:$0x7FA];
	s20 =	simm.s32 @p2 $0x9;
	p2 =	seq.s32 s23, $0x1  }
0x10e: {  	s28 =	sld [smem:$0x7F9];
	s18 =	simm.s32 @p2 $0x9;
	p2 =	seq.s32 s24, $0x1  }
0x10f: {  	s29 =	sld [smem:$0x7FC];
	s20 =	simm.s32 @p2 $0xA;
	p2 =	seq.s32 s25, $0x1  }
0x110: {  	s30 =	sld [smem:$0x7FB];
	s18 =	simm.s32 @p2 $0xA;
	p2 =	seq.s32 s26, $0x1  }
0x111: {  	s31 =	sld [smem:$0x7FD];
	s20 =	simm.s32 @p2 $0xB;
	p2 =	seq.s32 s28, $0x1  }
0x112: {  	s18 =	simm.s32 @p2 $0xB;
	p2 =	seq.s32 s29, $0x1  }
.Ltmp8:
0x113: {  	s20 =	simm.s32 @p2 $0xC;
	p2 =	seq.s32 s30, $0x1;
	(pc) =	sbr.rel .LBB2_21-.Ltmp8, $4  }
0x114: {  	s18 =	simm.s32 @p2 $0xC;
	s20 =	simm.s32 @p0 $0xD;
	p0 =	seq.s32 s31, $0x1  }
0x115: {  	s18 =	simm.s32 @p0 $0xD  }
0x116: {  	s20 =	simm.s32 @p1 $0xE;
	s18 =	simm.s32 @p4 $0xE  }
0x117: {  	s20 =	simm.s32 @p6 $0xF;
	s18 =	simm.s32 @p5 $0xF  }
.LBB2_12:
0x118: {  	s17 =	simm.s32 $0x0  }
0x119: {  	s17 =	simm.s32 @p2 $0x0  }
0x11a: {  	v4 =	vpsel p2, $0x7FF, v1;
	v3 =	vpsel p2, $0x80000000, v0;
	v5 =	vpsel p2, $0x80000000, v0;
	p2 =	sne.s32 s17, $0x7FF0  }
.Ltmp9:
0x11b: {  	_ = 	snop;
	(pc) =	sbr.rel @!p2 .LBB2_13-.Ltmp9, $4  }
0x11c: {  	_ = 	snop  }
0x11d: {  	s0 =	sand.u32 $0x70, s17;
	s1 =	sand.u32 $0xFF00, s17  }
0x11e: {  	p0 =	por $0x0, $0x0;
	s0 =	sor.u32 s0, s1  }
0x11f: {  	p1 =	por $0x0, $0x0;
	s16 =	sadd.s32 $0x10, s17;
	s17 =	sadd.s32 $0x20, s17;
	v6 =	vld [tilespmem:s0+$0x0]  }
0x120: {  	_ =	sdelay $0x1  }
0x121: {  	p2 =	sne.s32 s16, $0x7FF0  }
.Ltmp10:
0x122: {  	_ = 	snop;
	(pc) =	sbr.rel @!p2 .LBB2_15-.Ltmp10, $4  }
0x123: {  	v7 =	vshrl.u32 v6, $0xF  }
0x124: {  	s0 =	sand.u32 $0x70, s16;
	s1 =	sand.u32 $0xFF00, s17;
	v8 =	vand.u32 $0x80008000, v6;
	v7 =	vand.u32 $0x10001, v7  }
0x125: {  	s0 =	sor.u32 s0, s1;
	v7 =	vsub.s32 v8, v7  }
0x126: {  	s16 =	sadd.s32 $0x10, s16;
	s17 =	sadd.s32 $0x20, s17;
	p0 =	por $0x1, $0x1;
	v10 =	vld [tilespmem:s0+$0x0];
	v7 =	vxor.u32 v6, v7  }
0x127: {  	_ =	sdelay $0x3  }
0x128: {  	s0 =	sand.u32 $0x70, s16;
	s1 =	sand.u32 $0xFF00, s17;
	p2 =	sne.s32 s16, $0x7FF0;
	v9 =	vshrl.u32 v10, $0xF  }
.Ltmp11:
0x129: {  	s0 =	sor.u32 s0, s1;
	v8 =	vand.u32 $0x80008000, v10;
	v9 =	vand.u32 $0x10001, v9;
	(pc) =	sbr.rel @!p2 .LBB2_17-.Ltmp11, $4  }
0x12a: {  	v6 =	vshll.u32 v7, $0x10;
	v7 =	vand.u32 $0xFFFF0000, v7;
	v11 =	vld [tilespmem:s0+$0x0];
	v9 =	vsub.s32 v8, v9  }
0x12b: {  	v6 =	vor.u32 v4, v6;
	v7 =	vor.u32 v4, v7  }
0x12c: {  	vm2 =	vgt.s32 v5, v6;
	vm3 =	vgt.s32 v3, v7  }
0x12d: {  	s16 =	sadd.s32 $0x10, s16;
	s17 =	sadd.s32 $0x20, s17;
	p1 =	por $0x1, $0x1;
	v8 =	vsel vm2, v5, v6;
	v6 =	vsel vm3, v3, v7;
	v7 =	vxor.u32 v10, v9;
	v9 =	vmovc v4  }
.LBB2_18:
0x12e: {  	s0 =	sand.u32 $0x70, s16;
	s1 =	sand.u32 $0xFF00, s17;
	v10 =	vshll.u32 v7, $0x10;
	v7 =	vand.u32 $0xFFFF0000, v7;
	v9 =	vadd.s32 $0xFFFFFFFF, v9;
	p2 =	sne.s32 s16, $0x7FF0  }
.Ltmp12:
0x12f: {  	s16 =	sadd.s32 $0x10, s16;
	s0 =	sor.u32 s0, s1;
	v12 =	vand.u32 $0x80008000, v11;
	v10 =	vor.u32 v9, v10;
	v7 =	vor.u32 v9, v7;
	(pc) =	sbr.rel @p2 .LBB2_18-.Ltmp12, $4  }
0x130: {  	v13 =	vshrl.u32 v11, $0xF;
	v14 =	vmovc v11;
	vm2 =	vgt.s32 v8, v10;
	vm3 =	vgt.s32 v6, v7;
	v11 =	vld [tilespmem:s0+$0x0]  }
0x131: {  	v13 =	vand.u32 $0x10001, v13;
	v8 =	vsel vm2, v8, v10;
	v6 =	vsel vm3, v6, v7  }
0x132: {  	v7 =	vsub.s32 v12, v13  }
0x133: {  	s17 =	sadd.s32 $0x20, s17;
	v7 =	vxor.u32 v14, v7  }
0x134: {  	_ = 	snop  }
0x135: {  	v10 =	vmov v11  }
.LBB2_20:
0x136: {  	v11 =	vshll.u32 @p0 v7, $0x10;
	v9 =	vadd.s32 @p1 $0xFFFFFFFF, v9;
	v12 =	vshrl.u32 v10, $0xF  }
0x137: {  	v13 =	vand.u32 $0x80008000, v10;
	v9 =	vpsel p1, v9, v4;
	v12 =	vand.u32 $0x10001, v12  }
0x138: {  	v11 =	vor.u32 @p0 v9, v11;
	v12 =	vsub.s32 v13, v12  }
0x139: {  	vm2 =	vgt.s32 @p0 v8, v11;
	v59 =	vxor.u32 v10, v12;
	v12 =	vadd.s32 @p0 $0xFFFFFFFF, v9  }
0x13a: {  	v8 =	vsel @p0 vm2, v8, v11;
	v60 =	vshll.u32 v59, $0x10;
	v61 =	vpsel p0, v12, v4  }
0x13b: {  	v5 =	vpsel p0, v8, v5;
	v62 =	vor.u32 v61, v60  }
0x13c: {  	vm2 =	vgt.s32 v5, v62  }
0x13d: {  	v5 =	vsel vm2, v5, v62  }
0x13e: {  	(v2sf) =	vpush v5, $0x0  }
0x13f: {  	(v2sf) =	vpush v5, $0x1;
	_ =	sdelay $0x1  }
0x140: {  	(v2sf) =	vpush v5, $0x2;
	_ =	sdelay $0x1  }
0x141: {  	(v2sf) =	vpush v5, $0x3;
	_ =	sdelay $0x1  }
0x142: {  	(v2sf) =	vpush v5, $0x4;
	_ =	sdelay $0x1  }
0x143: {  	(v2sf) =	vpush v5, $0x5;
	_ =	sdelay $0x1  }
0x144: {  	(v2sf) =	vpush v5, $0x6;
	_ =	sdelay $0x1  }
0x145: {  	(v2sf) =	vpush v5, $0x7  }
0x146: {  	(v2sf) =	vpush v5, $0x8  }
0x147: {  	v7 =	vand.u32 @p0 $0xFFFF0000, v7;
	(v2sf) =	vpush v5, $0x9;
	s16 =	spop (v2sf)  }
0x148: {  	v7 =	vor.u32 @p0 v9, v7;
	(v2sf) =	vpush v5, $0xA;
	s0 =	spop (v2sf)  }
0x149: {  	vm2 =	vgt.s32 @p0 v6, v7;
	(v2sf) =	vpush v5, $0xB;
	p3 =	sgt.s32 s0, s16  }
0x14a: {  	v63 =	vand.u32 $0xFFFF0000, v59;
	v6 =	vsel @p0 vm2, v6, v7;
	(v2sf) =	vpush v5, $0xC;
	s16 =	smov.u32 @p3 s0;
	s0 =	spop (v2sf)  }
0x14b: {  	v4 =	vor.u32 v61, v63;
	v3 =	vpsel p0, v6, v3;
	(v2sf) =	vpush v5, $0xD;
	p4 =	sgt.s32 s0, s16  }
0x14c: {  	vm2 =	vgt.s32 v3, v4;
	(v2sf) =	vpush v5, $0xE;
	s16 =	smov.u32 @p4 s0;
	s0 =	spop (v2sf)  }
0x14d: {  	v3 =	vsel vm2, v3, v4;
	(v2sf) =	vpush v5, $0xF;
	p1 =	sgt.s32 s0, s16  }
0x14e: {  	(v2sf) =	vpush v3, $0x0;
	s16 =	smov.u32 @p1 s0;
	s0 =	spop (v2sf)  }
0x14f: {  	(v2sf) =	vpush v3, $0x1;
	p0 =	sgt.s32 s0, s16  }
0x150: {  	s1 =	spop (v2sf);
	s16 =	smov.u32 @p0 s0  }
0x151: {  	(v2sf) =	vpush v3, $0x2;
	p6 =	sgt.s32 s1, s16  }
0x152: {  	s0 =	spop (v2sf);
	s16 =	smov.u32 @p6 s1  }
0x153: {  	(v2sf) =	vpush v3, $0x3;
	p2 =	sgt.s32 s0, s16  }
0x154: {  	s13 =	spop (v2sf);
	s16 =	smov.u32 @p2 s0  }
0x155: {  	s18 =	simm.s32 $0x1;
	(v2sf) =	vpush v3, $0x4;
	s1 =	spop (v2sf);
	p5 =	sgt.s32 s13, s16  }
0x156: {  	s18 =	simm.s32 @!p3 $0x0;
	s17 =	spop (v2sf);
	s16 =	smov.u32 @p5 s13  }
0x157: {  	s18 =	simm.s32 @p4 $0x2;
	(v2sf) =	vpush v3, $0x5;
	s0 =	spop (v2sf);
	p4 =	sgt.s32 s1, s16  }
0x158: {  	s20 =	spop (v2sf);
	s16 =	smov.u32 @p4 s1  }
0x159: {  	s13 =	spop (v2sf);
	(v2sf) =	vpush v3, $0x6;
	p3 =	sgt.s32 s17, s16  }
0x15a: {  	s21 =	spop (v2sf);
	s16 =	smov.u32 @p3 s17  }
0x15b: {  	s18 =	simm.s32 @p1 $0x3;
	(v2sf) =	vpush v3, $0x7;
	s1 =	spop (v2sf);
	p1 =	sgt.s32 s0, s16  }
0x15c: {  	s19 =	spop (v2sf);
	s16 =	smov.u32 @p1 s0  }
0x15d: {  	s18 =	simm.s32 @p0 $0x4;
	(v2sf) =	vpush v3, $0x8;
	s17 =	spop (v2sf);
	p0 =	sgt.s32 s20, s16  }
0x15e: {  	s22 =	spop (v2sf);
	s0 =	simm.s32 @!p0 $0x0  }
0x15f: {  	s18 =	simm.s32 @p6 $0x5;
	p6 =	sgt.s32 s22, s17;
	s0 =	simm.s32 @p0 $0x1  }
0x160: {  	(v2sf) =	vpush v3, $0x9;
	s17 =	smov.u32 @p6 s22;
	[smem:$0x7E4] =	sst s0;
	s0 =	spop (v2sf)  }
0x161: {  	s16 =	smov.u32 @p0 s20;
	p0 =	sgt.s32 s0, s17  }
0x162: {  	s18 =	simm.s32 @p2 $0x6;
	(v2sf) =	vpush v3, $0xA;
	s17 =	smov.u32 @p0 s0;
	s0 =	spop (v2sf)  }
0x163: {  	s18 =	simm.s32 @p5 $0x7;
	s20 =	simm.s32 $0x1;
	p5 =	sgt.s32 s0, s17  }
0x164: {  	s20 =	simm.s32 @!p6 $0x0;
	(v2sf) =	vpush v3, $0xB;
	s17 =	smov.u32 @p5 s0;
	s0 =	spop (v2sf)  }
0x165: {  	s20 =	simm.s32 @p0 $0x2;
	p0 =	sgt.s32 s0, s17  }
0x166: {  	(v2sf) =	vpush v3, $0xC;
	s17 =	smov.u32 @p0 s0;
	s0 =	spop (v2sf)  }
0x167: {  	s20 =	simm.s32 @p5 $0x3;
	p5 =	sgt.s32 s0, s17  }
0x168: {  	s17 =	smov.u32 @p5 s0;
	s0 =	spop (v2sf);
	(v2sf) =	vpush v3, $0xD  }
0x169: {  	s20 =	simm.s32 @p0 $0x4;
	p0 =	sgt.s32 s0, s17  }
0x16a: {  	s17 =	smov.u32 @p0 s0;
	s0 =	spop (v2sf);
	(v2sf) =	vpush v3, $0xE  }
0x16b: {  	s18 =	simm.s32 @p4 $0x8;
	s20 =	simm.s32 @p5 $0x5;
	p5 =	sgt.s32 s0, s17  }
0x16c: {  	s18 =	simm.s32 @p3 $0x9;
	s17 =	smov.u32 @p5 s0;
	s0 =	spop (v2sf);
	(v2sf) =	vpush v3, $0xF  }
0x16d: {  	s18 =	simm.s32 @p1 $0xA  }
0x16e: {  	p2 =	sgt.s32 s13, s16;
	s20 =	simm.s32 @p0 $0x6;
	p0 =	sgt.s32 s0, s17  }
0x16f: {  	s20 =	simm.s32 @p5 $0x7;
	s17 =	smov.u32 @p0 s0;
	s0 =	spop (v2sf)  }
0x170: {  	s16 =	smov.u32 @p2 s13;
	s20 =	simm.s32 @p0 $0x8;
	p0 =	sgt.s32 s0, s17  }
0x171: {  	p4 =	sgt.s32 s21, s16;
	s17 =	smov.u32 @p0 s0;
	s0 =	spop (v2sf)  }
0x172: {  	s31 =	sld [smem:$0x7E4];
	s20 =	simm.s32 @p0 $0x9;
	p0 =	sgt.s32 s0, s17  }
0x173: {  	s16 =	smov.u32 @p4 s21;
	s17 =	smov.u32 @p0 s0;
	s0 =	spop (v2sf)  }
0x174: {  	p3 =	sgt.s32 s1, s16;
	s20 =	simm.s32 @p0 $0xA;
	p0 =	sgt.s32 s0, s17  }
0x175: {  	s16 =	smov.u32 @p3 s1;
	s17 =	smov.u32 @p0 s0;
	s0 =	spop (v2sf)  }
0x176: {  	p1 =	seq.s32 s31, $0x1;
	s20 =	simm.s32 @p0 $0xB;
	p0 =	sgt.s32 s0, s17  }
0x177: {  	s18 =	simm.s32 @p1 $0xB;
	s17 =	smov.u32 @p0 s0;
	s0 =	spop (v2sf)  }
0x178: {  	s18 =	simm.s32 @p2 $0xC;
	s20 =	simm.s32 @p0 $0xC;
	p0 =	sgt.s32 s0, s17  }
0x179: {  	s18 =	simm.s32 @p4 $0xD;
	s17 =	smov.u32 @p0 s0;
	s0 =	spop (v2sf)  }
0x17a: {  	s18 =	simm.s32 @p3 $0xE;
	s20 =	simm.s32 @p0 $0xD;
	p0 =	sgt.s32 s0, s17  }
0x17b: {  	p5 =	sgt.s32 s19, s16;
	s17 =	smov.u32 @p0 s0;
	s0 =	spop (v2sf)  }
0x17c: {  	s16 =	smov.u32 @p5 s19;
	s20 =	simm.s32 @p0 $0xE;
	p0 =	sgt.s32 s0, s17  }
0x17d: {  	s18 =	simm.s32 @p5 $0xF;
	s17 =	smov.u32 @p0 s0;
	s20 =	simm.s32 @p0 $0xF  }
.LBB2_21:
0x17e: {  	_ =	swait.ge [sflag:s11], $0x4000;
	s19 =	simm.s32 $0x0  }
0x17f: {  	s0 =	simm.s32 $0x4030;
	p0 =	por $0x0, $0x0;
	s1 =	simm.s32 $0x4020  }
0x180: {  	s13 =	simm.s32 $0x8040;
	s21 =	simm.s32 $0x8060;
	s23 =	simm.s32 $0x4010  }
0x181: {  	s24 =	simm.s32 $0x1;
	s31 =	simm.s32 $0x8020;
	[sflag:s11] =	ssyncset.done $0x0  }
0x182: {  	s7 =	simm.s32 $0x0;
	s0 =	sand.u32 $0x70, s0;
	[sflag:s11] =	ssyncadd.s32 $0xFFFFC000  }
0x183: {  	s22 =	sand.u32 $0x7F00, s19;
	s21 =	sand.u32 $0xFF00, s21;
	_ =	swait.ge [sflag:s12], $0x4000  }
0x184: {  	s1 =	sand.u32 $0x60, s1;
	s13 =	sand.u32 $0xFF00, s13;
	[sflag:s12] =	ssyncset.done $0x0  }
0x185: {  	s24 =	simm.s32 @!p0 $0x0;
	s0 =	sor.u32 s0, s21;
	[sflag:s12] =	ssyncadd.s32 $0xFFFFC000  }
0x186: {  	s23 =	sand.u32 $0x50, s23;
	s1 =	sor.u32 s1, s13;
	s21 =	sand.u32 $0xFF00, s31;
	v6 =	vld [tilespmem:s0+$0x80]  }
0x187: {  	s8 =	sshll.u32 s24, $0x6;
	s13 =	sand.u32 $0x40, s7;
	s21 =	sor.u32 s23, s21;
	v8 =	vld [tilespmem:s1+$0x80]  }
0x188: {  	s24 =	sor.u32 s13, s22;
	s0 =	sadd.s32 $0x0, s8;
	v9 =	vld [tilespmem:s21+$0x80]  }
0x189: {  	v3 =	vimm.s32 $0x7FF;
	v11 =	vld [tilespmem:s24+$0x8080];
	s25 =	sor.u32 $0xB0, s0  }
0x18a: {  	v7 =	vimm.s32 $0x80000000;
	v4 =	vimm.s32 $0x3FF;
	v12 =	vadd.s32 $0xFFFFFFFD, v3;
	s26 =	sor.u32 $0x80, s0;
	v13 =	vld [tilespmem:s25+$0x0]  }
0x18b: {  	v5 =	vadd.s32 $0xFFFFFFFC, v3;
	v16 =	vadd.s32 $0xFFFFFFFE, v3;
	v14 =	vadd.s32 $0xFFFFFFFE, v4;
	s28 =	sor.u32 $0x90, s0;
	s0 =	sor.u32 $0xA0, s0;
	v15 =	vld [tilespmem:s26+$0x0]  }
0x18c: {  	v17 =	vadd.s32 $0xFFFFFFFD, v4;
	v10 =	vadd.s32 $0xFFFFFFFF, v3;
	v18 =	vadd.s32 $0xFFFFFFFF, v4;
	v23 =	vld [tilespmem:s0+$0x0]  }
0x18d: {  	v19 =	vshll.u32 v6, $0x10;
	v21 =	vshll.u32 v8, $0x10;
	v22 =	vand.u32 $0xFFFF0000, v8  }
0x18e: {  	v20 =	vld [tilespmem:s28+$0x0];
	v6 =	vand.u32 $0xFFFF0000, v6;
	v24 =	vshll.u32 v11, $0x10;
	v25 =	vshll.u32 v9, $0x10  }
0x18f: {  	v26 =	vand.u32 $0xFFFF0000, v9;
	v27 =	vand.u32 $0xFFFF0000, v11;
	v8 =	vor.u32 v17, v19  }
0x190: {  	v6 =	vor.u32 v17, v6;
	v11 =	vor.u32 v14, v21;
	v9 =	vshll.u32 v15, $0x10  }
0x191: {  	v28 =	vshll.u32 v13, $0x10;
	v13 =	vand.u32 $0xFFFF0000, v13;
	v19 =	vshll.u32 v23, $0x10  }
0x192: {  	v29 =	vand.u32 $0xFFFF0000, v23;
	v17 =	vor.u32 v3, v9;
	v9 =	vor.u32 v14, v22  }
0x193: {  	v14 =	vshll.u32 v20, $0x10;
	v23 =	vor.u32 v12, v28;
	vm2 =	vgt.s32 v7, v17  }
0x194: {  	v13 =	vor.u32 v12, v13;
	v22 =	vor.u32 v10, v14;
	v21 =	vsel vm2, v7, v17  }
0x195: {  	v12 =	vimm.s32 $0x80000000;
	v14 =	vor.u32 v18, v26;
	vm2 =	vgt.s32 v21, v22  }
0x196: {  	s30 =	sshll.u32 s17, $0x4;
	v17 =	vor.u32 v18, v25;
	v21 =	vsel vm2, v21, v22;
	v22 =	vor.u32 v16, v19  }
0x197: {  	s29 =	sshll.u32 s16, $0x4;
	s31 =	sand.u32 $0xFFFF0, s30;
	v18 =	vor.u32 v4, v27;
	v19 =	vand.u32 $0xFFFF0000, v20;
	vm2 =	vgt.s32 v21, v22  }
0x198: {  	s17 =	ssub.s32 s20, s31;
	s0 =	sand.u32 $0xFFFF0, s29;
	v20 =	vor.u32 v4, v24;
	v22 =	vsel vm2, v21, v22;
	v21 =	vand.u32 $0xFFFF0000, v15  }
0x199: {  	s20 =	simm.s32 $0x4070;
	s16 =	ssub.s32 s18, s0;
	s18 =	simm.s32 $0x0;
	v15 =	vor.u32 v16, v29;
	v16 =	vimm.s32 $0x80000000;
	vm2 =	vgt.s32 v22, v23  }
.LBB2_22:
0x19a: {  	s0 =	sand.u32 $0x70, s20  }
0x19b: {  	v21 =	vor.u32 v3, v21;
	v10 =	vor.u32 v10, v19;
	v19 =	vsel vm2, v22, v23;
	s19 =	sadd.s32 $0x80, s19;
	p0 =	por !p0, !p0;
	v3 =	vmovc v5;
	s1 =	sadd.s32 $0xFFFFFFF0, s20  }
0x19c: {  	vm3 =	vgt.s32 v16, v20;
	vm4 =	vgt.s32 v12, v18;
	s23 =	sadd.s32 $0xFFFFFFE0, s20;
	s13 =	sadd.s32 $0x8040, s19;
	s21 =	sadd.s32 $0x8060, s19;
	vm2 =	vgt.s32 v7, v21  }
0x19d: {  	s25 =	simm.s32 $0x1;
	s22 =	sand.u32 $0x7F00, s19;
	s24 =	sadd.s32 $0x8020, s19;
	v16 =	vsel vm3, v16, v20;
	v12 =	vsel vm4, v12, v18;
	v7 =	vsel vm2, v7, v21  }
0x19e: {  	s26 =	sadd.s32 $0xFFFFBFD0, s20;
	s25 =	simm.s32 @!p0 $0x0;
	s21 =	sand.u32 $0xFF00, s21;
	vm3 =	vgt.s32 v16, v17;
	vm4 =	vgt.s32 v12, v14;
	vm2 =	vgt.s32 v7, v10  }
0x19f: {  	s1 =	sand.u32 $0x60, s1;
	s13 =	sand.u32 $0xFF00, s13;
	s0 =	sor.u32 s0, s21;
	v12 =	vsel vm4, v12, v14;
	v7 =	vsel vm2, v7, v10;
	v10 =	vsel vm3, v16, v17  }
0x1a0: {  	s21 =	sand.u32 $0x50, s23;
	s23 =	sand.u32 $0xFF00, s24;
	s1 =	sor.u32 s1, s13;
	vm4 =	vgt.s32 v12, v9;
	v14 =	vld [tilespmem:s0+$0x80];
	vm2 =	vgt.s32 v7, v15;
	vm3 =	vgt.s32 v10, v11  }
0x1a1: {  	s13 =	sand.u32 $0x40, s26;
	s21 =	sor.u32 s21, s23;
	s0 =	sshll.u32 s25, $0x6;
	v9 =	vsel vm4, v12, v9;
	v17 =	vld [tilespmem:s1+$0x80];
	v7 =	vsel vm2, v7, v15;
	v10 =	vsel vm3, v10, v11  }
0x1a2: {  	s0 =	sadd.s32 s0, s19;
	s1 =	sor.u32 s13, s22;
	vm4 =	vgt.s32 v9, v6;
	v11 =	vld [tilespmem:s21+$0x80];
	vm2 =	vgt.s32 v7, v13;
	vm3 =	vgt.s32 v10, v8  }
0x1a3: {  	v12 =	vsel vm4, v9, v6;
	v15 =	vld [tilespmem:s1+$0x8080];
	s1 =	sor.u32 $0xB0, s0;
	v7 =	vsel vm2, v7, v13;
	v16 =	vsel vm3, v10, v8  }
0x1a4: {  	v5 =	vadd.s32 $0xFFFFFFFC, v5;
	v4 =	vadd.s32 $0xFFFFFFFC, v4;
	s13 =	sor.u32 $0x80, s0;
	v13 =	vadd.s32 $0xFFFFFFFD, v3;
	v9 =	vld [tilespmem:s1+$0x0]  }
0x1a5: {  	v24 =	vadd.s32 $0xFFFFFFFE, v3;
	v18 =	vadd.s32 $0xFFFFFFFE, v4;
	v6 =	vadd.s32 $0xFFFFFFFD, v4;
	s1 =	sor.u32 $0xA0, s0;
	v21 =	vld [tilespmem:s13+$0x0]  }
0x1a6: {  	v20 =	vadd.s32 $0xFFFFFFFF, v4;
	v10 =	vadd.s32 $0xFFFFFFFF, v3;
	s0 =	sor.u32 $0x90, s0;
	v8 =	vshll.u32 v14, $0x10;
	v22 =	vld [tilespmem:s1+$0x0]  }
0x1a7: {  	v14 =	vand.u32 $0xFFFF0000, v14;
	v25 =	vshll.u32 v17, $0x10;
	v17 =	vand.u32 $0xFFFF0000, v17;
	v23 =	vld [tilespmem:s0+$0x0]  }
0x1a8: {  	v27 =	vshll.u32 v11, $0x10;
	v28 =	vand.u32 $0xFFFF0000, v11;
	v26 =	vshll.u32 v15, $0x10  }
0x1a9: {  	s18 =	sadd.s32 $0x4, s18;
	v8 =	vor.u32 v6, v8;
	v6 =	vor.u32 v6, v14;
	v15 =	vand.u32 $0xFFFF0000, v15  }
0x1aa: {  	p1 =	slt.u32 s18, $0x3FC;
	v29 =	vshll.u32 v9, $0x10;
	v30 =	vand.u32 $0xFFFF0000, v9;
	v11 =	vshll.u32 v21, $0x10  }
0x1ab: {  	v9 =	vor.u32 v18, v17;
	v14 =	vor.u32 v3, v11;
	v11 =	vor.u32 v18, v25  }
0x1ac: {  	v18 =	vshll.u32 v22, $0x10;
	vm2 =	vgt.s32 v19, v14;
	v17 =	vshll.u32 v23, $0x10  }
0x1ad: {  	v31 =	vand.u32 $0xFFFF0000, v22;
	v19 =	vsel vm2, v19, v14;
	v25 =	vor.u32 v10, v17  }
.Ltmp13:
0x1ae: {  	v17 =	vor.u32 v20, v27;
	v14 =	vor.u32 v20, v28;
	vm2 =	vgt.s32 v19, v25;
	(pc) =	sbr.rel @p1 .LBB2_22-.Ltmp13, $4  }
0x1af: {  	v22 =	vsel vm2, v19, v25;
	v19 =	vand.u32 $0xFFFF0000, v23;
	v23 =	vor.u32 v24, v18  }
0x1b0: {  	v20 =	vor.u32 v4, v26;
	v18 =	vor.u32 v4, v15;
	vm2 =	vgt.s32 v22, v23  }
0x1b1: {  	v21 =	vand.u32 $0xFFFF0000, v21;
	v22 =	vsel vm2, v22, v23;
	v23 =	vor.u32 v13, v29  }
0x1b2: {  	s20 =	sadd.s32 $0x40, s20;
	v15 =	vor.u32 v24, v31;
	v13 =	vor.u32 v13, v30;
	vm2 =	vgt.s32 v22, v23  }
0x1b3: {  	vm3 =	vgt.s32 v16, v20  }
0x1b4: {  	v4 =	vsel vm3, v16, v20  }
0x1b5: {  	vm3 =	vgt.s32 v4, v17  }
0x1b6: {  	v4 =	vsel vm3, v4, v17  }
0x1b7: {  	vm3 =	vgt.s32 v4, v11  }
0x1b8: {  	v4 =	vsel vm3, v4, v11  }
0x1b9: {  	vm3 =	vgt.s32 v4, v8  }
0x1ba: {  	v5 =	vsel vm2, v22, v23;
	v4 =	vsel vm3, v4, v8  }
0x1bb: {  	vm2 =	vgt.s32 v5, v4  }
0x1bc: {  	v4 =	vsel vm2, v5, v4  }
0x1bd: {  	(v2sf) =	vpush v4, $0x0  }
0x1be: {  	(v2sf) =	vpush v4, $0x1  }
0x1bf: {  	(v2sf) =	vpush v4, $0x2  }
0x1c0: {  	(v2sf) =	vpush v4, $0x3  }
0x1c1: {  	(v2sf) =	vpush v4, $0x4  }
0x1c2: {  	v3 =	vor.u32 v3, v21;
	v61 =	vor.u32 v10, v19;
	(v2sf) =	vpush v4, $0x5  }
0x1c3: {  	vm3 =	vgt.s32 v12, v18;
	vm2 =	vgt.s32 v7, v3;
	(v2sf) =	vpush v4, $0x6  }
0x1c4: {  	v62 =	vsel vm3, v12, v18;
	v3 =	vsel vm2, v7, v3;
	(v2sf) =	vpush v4, $0x7  }
0x1c5: {  	vm3 =	vgt.s32 v62, v14;
	vm2 =	vgt.s32 v3, v61;
	(v2sf) =	vpush v4, $0x8  }
0x1c6: {  	v63 =	vsel vm3, v62, v14;
	v3 =	vsel vm2, v3, v61;
	(v2sf) =	vpush v4, $0x9  }
0x1c7: {  	vm3 =	vgt.s32 v63, v9;
	vm2 =	vgt.s32 v3, v15;
	(v2sf) =	vpush v4, $0xA  }
0x1c8: {  	v5 =	vsel vm3, v63, v9;
	v3 =	vsel vm2, v3, v15;
	(v2sf) =	vpush v4, $0xB  }
0x1c9: {  	vm3 =	vgt.s32 v5, v6;
	vm2 =	vgt.s32 v3, v13;
	(v2sf) =	vpush v4, $0xC  }
0x1ca: {  	v5 =	vsel vm3, v5, v6;
	v3 =	vsel vm2, v3, v13;
	(v2sf) =	vpush v4, $0xD  }
0x1cb: {  	vm2 =	vgt.s32 v3, v5;
	(v2sf) =	vpush v4, $0xE  }
0x1cc: {  	v3 =	vsel vm2, v3, v5;
	s18 =	spop (v2sf);
	(v2sf) =	vpush v4, $0xF  }
0x1cd: {  	s0 =	spop (v2sf);
	(v2sf) =	vpush v3, $0x0  }
0x1ce: {  	s1 =	spop (v2sf);
	(v2sf) =	vpush v3, $0x1  }
0x1cf: {  	s13 =	spop (v2sf)  }
0x1d0: {  	s26 =	spop (v2sf)  }
0x1d1: {  	s28 =	spop (v2sf)  }
0x1d2: {  	(v2sf) =	vpush v3, $0x2;
	s29 =	spop (v2sf)  }
0x1d3: {  	s30 =	spop (v2sf)  }
0x1d4: {  	s31 =	spop (v2sf)  }
0x1d5: {  	s7 =	spop (v2sf)  }
0x1d6: {  	s25 =	spop (v2sf)  }
0x1d7: {  	(v2sf) =	vpush v3, $0x3;
	s24 =	spop (v2sf)  }
0x1d8: {  	s23 =	spop (v2sf)  }
0x1d9: {  	(v2sf) =	vpush v3, $0x4;
	s22 =	spop (v2sf)  }
0x1da: {  	(v2sf) =	vpush v3, $0x5;
	s21 =	spop (v2sf)  }
0x1db: {  	(v2sf) =	vpush v3, $0x6;
	s20 =	spop (v2sf)  }
0x1dc: {  	p0 =	sgt.s32 s0, s18;
	(v2sf) =	vpush v3, $0x7;
	s19 =	spop (v2sf)  }
0x1dd: {  	(v2sf) =	vpush v3, $0x8;
	s8 =	spop (v2sf);
	[smem:$0x7CA] =	sst s1;
	s1 =	simm.s32 @!p0 $0x0  }
0x1de: {  	s1 =	simm.s32 @p0 $0x1;
	p1 =	sgt.s32 s8, s19  }
0x1df: {  	s18 =	smov.u32 @p0 s0;
	[smem:$0x7CB] =	sst s1;
	s0 =	simm.s32 @!p1 $0x0  }
0x1e0: {  	s1 =	sld [smem:$0x7CA];
	s0 =	simm.s32 @p1 $0x1  }
0x1e1: {  	s19 =	smov.u32 @p1 s8;
	[smem:$0x7CC] =	sst s0;
	s0 =	spop (v2sf)  }
0x1e2: {  	p1 =	sgt.s32 s0, s19  }
0x1e3: {  	p0 =	sgt.s32 s1, s18;
	s19 =	smov.u32 @p1 s0  }
0x1e4: {  	s8 =	simm.s32 @!p0 $0x0;
	s18 =	smov.u32 @p0 s1;
	s1 =	simm.s32 @!p1 $0x0  }
0x1e5: {  	s8 =	simm.s32 @p0 $0x1;
	p0 =	sgt.s32 s13, s18;
	s1 =	simm.s32 @p1 $0x1  }
0x1e6: {  	s0 =	spop (v2sf);
	[smem:$0x7CE] =	sst s1;
	s1 =	simm.s32 @!p0 $0x0  }
0x1e7: {  	p1 =	sgt.s32 s0, s19;
	s1 =	simm.s32 @p0 $0x1  }
0x1e8: {  	s18 =	smov.u32 @p0 s13;
	[smem:$0x7CF] =	sst s1;
	s1 =	simm.s32 @!p1 $0x0  }
0x1e9: {  	s19 =	smov.u32 @p1 s0;
	p0 =	sgt.s32 s26, s18;
	s1 =	simm.s32 @p1 $0x1  }
0x1ea: {  	s0 =	spop (v2sf);
	[smem:$0x7D0] =	sst s1;
	s1 =	simm.s32 @!p0 $0x0  }
0x1eb: {  	s18 =	smov.u32 @p0 s26;
	s1 =	simm.s32 @p0 $0x1;
	p0 =	sgt.s32 s0, s19  }
0x1ec: {  	[smem:$0x7D1] =	sst s1;
	s1 =	simm.s32 @!p0 $0x0  }
0x1ed: {  	s19 =	smov.u32 @p0 s0;
	s1 =	simm.s32 @p0 $0x1;
	p0 =	sgt.s32 s28, s18  }
0x1ee: {  	s0 =	spop (v2sf);
	[smem:$0x7D2] =	sst s1;
	s1 =	simm.s32 @!p0 $0x0  }
0x1ef: {  	(v2sf) =	vpush v3, $0x9;
	s18 =	smov.u32 @p0 s28;
	s1 =	simm.s32 @p0 $0x1;
	p0 =	sgt.s32 s0, s19  }
0x1f0: {  	[smem:$0x7D3] =	sst s1;
	s1 =	simm.s32 @!p0 $0x0  }
0x1f1: {  	s19 =	smov.u32 @p0 s0;
	s1 =	simm.s32 @p0 $0x1;
	p0 =	sgt.s32 s29, s18  }
0x1f2: {  	s0 =	spop (v2sf);
	[smem:$0x7D4] =	sst s1;
	s1 =	simm.s32 @!p0 $0x0  }
0x1f3: {  	(v2sf) =	vpush v3, $0xA;
	s18 =	smov.u32 @p0 s29;
	s1 =	simm.s32 @p0 $0x1;
	p0 =	sgt.s32 s0, s19  }
0x1f4: {  	[smem:$0x7D5] =	sst s1;
	s1 =	simm.s32 @!p0 $0x0  }
0x1f5: {  	s19 =	smov.u32 @p0 s0;
	s1 =	simm.s32 @p0 $0x1;
	p0 =	sgt.s32 s30, s18  }
0x1f6: {  	s0 =	spop (v2sf);
	[smem:$0x7D6] =	sst s1;
	s1 =	simm.s32 @!p0 $0x0  }
0x1f7: {  	(v2sf) =	vpush v3, $0xB;
	s18 =	smov.u32 @p0 s30;
	s1 =	simm.s32 @p0 $0x1;
	p0 =	sgt.s32 s0, s19  }
0x1f8: {  	[smem:$0x7D7] =	sst s1;
	s1 =	simm.s32 @!p0 $0x0  }
0x1f9: {  	s19 =	smov.u32 @p0 s0;
	s1 =	simm.s32 @p0 $0x1;
	p0 =	sgt.s32 s31, s18  }
0x1fa: {  	s0 =	spop (v2sf);
	[smem:$0x7D8] =	sst s1;
	s1 =	simm.s32 @!p0 $0x0  }
0x1fb: {  	(v2sf) =	vpush v3, $0xC;
	s18 =	smov.u32 @p0 s31;
	s1 =	simm.s32 @p0 $0x1;
	p0 =	sgt.s32 s0, s19  }
0x1fc: {  	[smem:$0x7D9] =	sst s1;
	s1 =	simm.s32 @!p0 $0x0  }
0x1fd: {  	s19 =	smov.u32 @p0 s0;
	s1 =	simm.s32 @p0 $0x1;
	p0 =	sgt.s32 s7, s18  }
0x1fe: {  	s0 =	spop (v2sf);
	[smem:$0x7DA] =	sst s1;
	s1 =	simm.s32 @!p0 $0x0  }
0x1ff: {  	(v2sf) =	vpush v3, $0xD;
	s18 =	smov.u32 @p0 s7;
	s1 =	simm.s32 @p0 $0x1;
	p0 =	sgt.s32 s0, s19  }
0x200: {  	[smem:$0x7DB] =	sst s1;
	s1 =	simm.s32 @!p0 $0x0  }
0x201: {  	(v2sf) =	vpush v3, $0xE;
	s19 =	smov.u32 @p0 s0;
	s1 =	simm.s32 @p0 $0x1;
	p0 =	sgt.s32 s25, s18  }
0x202: {  	s0 =	spop (v2sf);
	[smem:$0x7DC] =	sst s1;
	s1 =	simm.s32 @!p0 $0x0  }
0x203: {  	(v2sf) =	vpush v3, $0xF;
	s18 =	smov.u32 @p0 s25;
	s1 =	simm.s32 @p0 $0x1;
	p0 =	sgt.s32 s0, s19  }
0x204: {  	[smem:$0x7DD] =	sst s1;
	s1 =	simm.s32 @!p0 $0x0  }
0x205: {  	s19 =	smov.u32 @p0 s0;
	s1 =	simm.s32 @p0 $0x1;
	p0 =	sgt.s32 s24, s18  }
0x206: {  	s0 =	spop (v2sf);
	[smem:$0x7DE] =	sst s1;
	s1 =	simm.s32 @!p0 $0x0  }
0x207: {  	s18 =	smov.u32 @p0 s24;
	s1 =	simm.s32 @p0 $0x1;
	p0 =	sgt.s32 s0, s19  }
0x208: {  	[smem:$0x7DF] =	sst s1;
	s1 =	simm.s32 @!p0 $0x0  }
0x209: {  	s19 =	smov.u32 @p0 s0;
	s1 =	simm.s32 @p0 $0x1;
	p0 =	sgt.s32 s23, s18  }
0x20a: {  	s0 =	spop (v2sf);
	[smem:$0x7E0] =	sst s1;
	s1 =	simm.s32 @!p0 $0x0  }
0x20b: {  	s18 =	smov.u32 @p0 s23;
	s1 =	simm.s32 @p0 $0x1;
	p0 =	sgt.s32 s0, s19  }
0x20c: {  	[smem:$0x7E1] =	sst s1;
	s1 =	simm.s32 @!p0 $0x0  }
0x20d: {  	s19 =	smov.u32 @p0 s0;
	s1 =	simm.s32 @p0 $0x1;
	p0 =	sgt.s32 s22, s18  }
0x20e: {  	s0 =	spop (v2sf);
	[smem:$0x7E2] =	sst s1;
	s1 =	simm.s32 @!p0 $0x0  }
0x20f: {  	s18 =	smov.u32 @p0 s22;
	s1 =	simm.s32 @p0 $0x1;
	p0 =	sgt.s32 s0, s19  }
0x210: {  	p4 =	sgt.s32 s21, s18;
	s19 =	smov.u32 @p0 s0;
	s0 =	spop (v2sf)  }
0x211: {  	s18 =	smov.u32 @p4 s21;
	p1 =	sgt.s32 s0, s19  }
0x212: {  	p5 =	sgt.s32 s20, s18;
	s19 =	smov.u32 @p1 s0;
	s0 =	spop (v2sf)  }
0x213: {  	s18 =	smov.u32 @p5 s20;
	p6 =	sgt.s32 s0, s19  }
0x214: {  	p2 =	slt.s32 s18, $0x10000;
	s19 =	smov.u32 @p6 s0  }
0x215: {  	p3 =	slt.s32 @!p2 s19, $0x10000  }
0x216: {  	p3 =	por p2, p3  }
.Ltmp14:
0x217: {  	_ = 	snop;
	(pc) =	sbr.rel @!p3 .LBB2_36-.Ltmp14, $3  }
0x218: {  	_ =	sdelay $0x1  }
0x219: {  	[smem:$0x7CD] =	sst s8  }
0x21a: {  	[smem:$0x7E3] =	sst s1  }
0x21b: {  	s19 =	simm.s32 $0x0  }
0x21c: {  	s19 =	simm.s32 @p2 $0x0  }
0x21d: {  	v4 =	vpsel p2, $0x7FF, v1;
	v3 =	vpsel p2, $0x80000000, v0;
	v5 =	vpsel p2, $0x80000000, v0;
	p2 =	sne.s32 s19, $0x7FF0  }
.Ltmp15:
0x21e: {  	_ = 	snop;
	(pc) =	sbr.rel @!p2 .LBB2_25-.Ltmp15, $4  }
0x21f: {  	_ = 	snop  }
0x220: {  	s0 =	sand.u32 $0x70, s19;
	s1 =	sand.u32 $0xFF00, s19  }
0x221: {  	p0 =	por $0x0, $0x0;
	s0 =	sor.u32 s0, s1  }
0x222: {  	p1 =	por $0x0, $0x0;
	s18 =	sadd.s32 $0x10, s19;
	s19 =	sadd.s32 $0x20, s19;
	v6 =	vld [tilespmem:s0+$0x80]  }
0x223: {  	_ =	sdelay $0x1  }
0x224: {  	p2 =	sne.s32 s18, $0x7FF0  }
.Ltmp16:
0x225: {  	_ = 	snop;
	(pc) =	sbr.rel @!p2 .LBB2_27-.Ltmp16, $4  }
0x226: {  	v7 =	vshrl.u32 v6, $0xF  }
0x227: {  	s0 =	sand.u32 $0x70, s18;
	s1 =	sand.u32 $0xFF00, s19;
	v8 =	vand.u32 $0x80008000, v6;
	v7 =	vand.u32 $0x10001, v7  }
0x228: {  	s0 =	sor.u32 s0, s1;
	v7 =	vsub.s32 v8, v7  }
0x229: {  	s18 =	sadd.s32 $0x10, s18;
	s19 =	sadd.s32 $0x20, s19;
	p0 =	por $0x1, $0x1;
	v10 =	vld [tilespmem:s0+$0x80];
	v7 =	vxor.u32 v6, v7  }
0x22a: {  	_ =	sdelay $0x3  }
0x22b: {  	s0 =	sand.u32 $0x70, s18;
	s1 =	sand.u32 $0xFF00, s19;
	p2 =	sne.s32 s18, $0x7FF0;
	v9 =	vshrl.u32 v10, $0xF  }
.Ltmp17:
0x22c: {  	s0 =	sor.u32 s0, s1;
	v8 =	vand.u32 $0x80008000, v10;
	v9 =	vand.u32 $0x10001, v9;
	(pc) =	sbr.rel @!p2 .LBB2_29-.Ltmp17, $4  }
0x22d: {  	v6 =	vshll.u32 v7, $0x10;
	v7 =	vand.u32 $0xFFFF0000, v7;
	v11 =	vld [tilespmem:s0+$0x80];
	v9 =	vsub.s32 v8, v9  }
0x22e: {  	v6 =	vor.u32 v4, v6;
	v7 =	vor.u32 v4, v7  }
0x22f: {  	vm2 =	vgt.s32 v5, v6;
	vm3 =	vgt.s32 v3, v7  }
0x230: {  	s18 =	sadd.s32 $0x10, s18;
	s19 =	sadd.s32 $0x20, s19;
	p1 =	por $0x1, $0x1;
	v8 =	vsel vm2, v5, v6;
	v6 =	vsel vm3, v3, v7;
	v7 =	vxor.u32 v10, v9;
	v9 =	vmovc v4  }
.LBB2_30:
0x231: {  	s0 =	sand.u32 $0x70, s18;
	s1 =	sand.u32 $0xFF00, s19;
	v10 =	vshll.u32 v7, $0x10;
	v7 =	vand.u32 $0xFFFF0000, v7;
	v9 =	vadd.s32 $0xFFFFFFFF, v9;
	p2 =	sne.s32 s18, $0x7FF0  }
.Ltmp18:
0x232: {  	s18 =	sadd.s32 $0x10, s18;
	s0 =	sor.u32 s0, s1;
	v12 =	vand.u32 $0x80008000, v11;
	v10 =	vor.u32 v9, v10;
	v7 =	vor.u32 v9, v7;
	(pc) =	sbr.rel @p2 .LBB2_30-.Ltmp18, $4  }
0x233: {  	v13 =	vshrl.u32 v11, $0xF;
	v14 =	vmovc v11;
	vm2 =	vgt.s32 v8, v10;
	vm3 =	vgt.s32 v6, v7;
	v11 =	vld [tilespmem:s0+$0x80]  }
0x234: {  	v13 =	vand.u32 $0x10001, v13;
	v8 =	vsel vm2, v8, v10;
	v6 =	vsel vm3, v6, v7  }
0x235: {  	v7 =	vsub.s32 v12, v13  }
0x236: {  	s19 =	sadd.s32 $0x20, s19;
	v7 =	vxor.u32 v14, v7  }
0x237: {  	_ = 	snop  }
0x238: {  	v10 =	vmov v11  }
.LBB2_32:
0x239: {  	v11 =	vshll.u32 @p0 v7, $0x10;
	v9 =	vadd.s32 @p1 $0xFFFFFFFF, v9;
	v12 =	vshrl.u32 v10, $0xF  }
0x23a: {  	v13 =	vand.u32 $0x80008000, v10;
	v9 =	vpsel p1, v9, v4;
	v12 =	vand.u32 $0x10001, v12  }
0x23b: {  	v11 =	vor.u32 @p0 v9, v11;
	v12 =	vsub.s32 v13, v12  }
0x23c: {  	vm2 =	vgt.s32 @p0 v8, v11;
	v59 =	vxor.u32 v10, v12;
	v12 =	vadd.s32 @p0 $0xFFFFFFFF, v9  }
0x23d: {  	v8 =	vsel @p0 vm2, v8, v11;
	v60 =	vshll.u32 v59, $0x10;
	v61 =	vpsel p0, v12, v4  }
0x23e: {  	v5 =	vpsel p0, v8, v5;
	v62 =	vor.u32 v61, v60  }
0x23f: {  	vm2 =	vgt.s32 v5, v62  }
0x240: {  	v5 =	vsel vm2, v5, v62  }
0x241: {  	(v2sf) =	vpush v5, $0x0  }
0x242: {  	(v2sf) =	vpush v5, $0x1;
	_ =	sdelay $0x1  }
0x243: {  	(v2sf) =	vpush v5, $0x2;
	_ =	sdelay $0x1  }
0x244: {  	(v2sf) =	vpush v5, $0x3;
	_ =	sdelay $0x1  }
0x245: {  	(v2sf) =	vpush v5, $0x4;
	_ =	sdelay $0x1  }
0x246: {  	(v2sf) =	vpush v5, $0x5;
	_ =	sdelay $0x1  }
0x247: {  	(v2sf) =	vpush v5, $0x6;
	_ =	sdelay $0x1  }
0x248: {  	(v2sf) =	vpush v5, $0x7  }
0x249: {  	(v2sf) =	vpush v5, $0x8  }
0x24a: {  	v7 =	vand.u32 @p0 $0xFFFF0000, v7;
	(v2sf) =	vpush v5, $0x9;
	s18 =	spop (v2sf)  }
0x24b: {  	v7 =	vor.u32 @p0 v9, v7;
	(v2sf) =	vpush v5, $0xA;
	s0 =	spop (v2sf)  }
0x24c: {  	vm2 =	vgt.s32 @p0 v6, v7;
	(v2sf) =	vpush v5, $0xB;
	p3 =	sgt.s32 s0, s18  }
0x24d: {  	v63 =	vand.u32 $0xFFFF0000, v59;
	v6 =	vsel @p0 vm2, v6, v7;
	(v2sf) =	vpush v5, $0xC;
	s18 =	smov.u32 @p3 s0;
	s0 =	spop (v2sf)  }
0x24e: {  	v4 =	vor.u32 v61, v63;
	v3 =	vpsel p0, v6, v3;
	(v2sf) =	vpush v5, $0xD;
	p4 =	sgt.s32 s0, s18  }
0x24f: {  	vm2 =	vgt.s32 v3, v4;
	(v2sf) =	vpush v5, $0xE;
	s18 =	smov.u32 @p4 s0;
	s0 =	spop (v2sf)  }
0x250: {  	v3 =	vsel vm2, v3, v4;
	(v2sf) =	vpush v5, $0xF;
	p1 =	sgt.s32 s0, s18  }
0x251: {  	(v2sf) =	vpush v3, $0x0;
	s18 =	smov.u32 @p1 s0;
	s0 =	spop (v2sf)  }
0x252: {  	(v2sf) =	vpush v3, $0x1;
	p0 =	sgt.s32 s0, s18  }
0x253: {  	s1 =	spop (v2sf);
	s18 =	smov.u32 @p0 s0  }
0x254: {  	(v2sf) =	vpush v3, $0x2;
	p6 =	sgt.s32 s1, s18  }
0x255: {  	s0 =	spop (v2sf);
	s18 =	smov.u32 @p6 s1  }
0x256: {  	(v2sf) =	vpush v3, $0x3;
	p2 =	sgt.s32 s0, s18  }
0x257: {  	s7 =	spop (v2sf);
	s18 =	smov.u32 @p2 s0  }
0x258: {  	s20 =	simm.s32 $0x1;
	(v2sf) =	vpush v3, $0x4;
	s1 =	spop (v2sf);
	p5 =	sgt.s32 s7, s18  }
0x259: {  	s20 =	simm.s32 @!p3 $0x0;
	s8 =	spop (v2sf);
	s18 =	smov.u32 @p5 s7  }
0x25a: {  	s20 =	simm.s32 @p4 $0x2;
	(v2sf) =	vpush v3, $0x5;
	s0 =	spop (v2sf);
	p4 =	sgt.s32 s1, s18  }
0x25b: {  	s13 =	spop (v2sf);
	s18 =	smov.u32 @p4 s1  }
0x25c: {  	s7 =	spop (v2sf);
	(v2sf) =	vpush v3, $0x6;
	p3 =	sgt.s32 s8, s18  }
0x25d: {  	s23 =	spop (v2sf);
	s18 =	smov.u32 @p3 s8  }
0x25e: {  	s20 =	simm.s32 @p1 $0x3;
	(v2sf) =	vpush v3, $0x7;
	s1 =	spop (v2sf);
	p1 =	sgt.s32 s0, s18  }
0x25f: {  	s22 =	spop (v2sf);
	s18 =	smov.u32 @p1 s0  }
0x260: {  	s20 =	simm.s32 @p0 $0x4;
	(v2sf) =	vpush v3, $0x8;
	s19 =	spop (v2sf);
	p0 =	sgt.s32 s13, s18  }
0x261: {  	s8 =	spop (v2sf);
	s0 =	simm.s32 @!p0 $0x0  }
0x262: {  	s20 =	simm.s32 @p6 $0x5;
	p6 =	sgt.s32 s8, s19;
	s0 =	simm.s32 @p0 $0x1  }
0x263: {  	(v2sf) =	vpush v3, $0x9;
	s19 =	smov.u32 @p6 s8;
	[smem:$0x7C9] =	sst s0;
	s0 =	spop (v2sf)  }
0x264: {  	s18 =	smov.u32 @p0 s13;
	p0 =	sgt.s32 s0, s19  }
0x265: {  	s20 =	simm.s32 @p2 $0x6;
	(v2sf) =	vpush v3, $0xA;
	s19 =	smov.u32 @p0 s0;
	s0 =	spop (v2sf)  }
0x266: {  	s21 =	simm.s32 $0x1;
	s20 =	simm.s32 @p5 $0x7;
	p5 =	sgt.s32 s0, s19  }
0x267: {  	s21 =	simm.s32 @!p6 $0x0;
	(v2sf) =	vpush v3, $0xB;
	s19 =	smov.u32 @p5 s0;
	s0 =	spop (v2sf)  }
0x268: {  	s21 =	simm.s32 @p0 $0x2;
	p0 =	sgt.s32 s0, s19  }
0x269: {  	(v2sf) =	vpush v3, $0xC;
	s19 =	smov.u32 @p0 s0;
	s0 =	spop (v2sf)  }
0x26a: {  	s21 =	simm.s32 @p5 $0x3;
	p5 =	sgt.s32 s0, s19  }
0x26b: {  	s19 =	smov.u32 @p5 s0;
	s0 =	spop (v2sf);
	(v2sf) =	vpush v3, $0xD  }
0x26c: {  	s21 =	simm.s32 @p0 $0x4;
	p0 =	sgt.s32 s0, s19  }
0x26d: {  	s19 =	smov.u32 @p0 s0;
	s0 =	spop (v2sf);
	(v2sf) =	vpush v3, $0xE  }
0x26e: {  	s20 =	simm.s32 @p4 $0x8;
	s21 =	simm.s32 @p5 $0x5;
	p5 =	sgt.s32 s0, s19  }
0x26f: {  	s20 =	simm.s32 @p3 $0x9;
	s19 =	smov.u32 @p5 s0;
	s0 =	spop (v2sf);
	(v2sf) =	vpush v3, $0xF  }
0x270: {  	s20 =	simm.s32 @p1 $0xA;
	p2 =	sgt.s32 s7, s18  }
0x271: {  	s18 =	smov.u32 @p2 s7;
	s21 =	simm.s32 @p0 $0x6;
	p0 =	sgt.s32 s0, s19  }
0x272: {  	s21 =	simm.s32 @p5 $0x7;
	s19 =	smov.u32 @p0 s0;
	s0 =	spop (v2sf)  }
0x273: {  	p4 =	sgt.s32 s23, s18;
	s21 =	simm.s32 @p0 $0x8;
	p0 =	sgt.s32 s0, s19  }
0x274: {  	s31 =	sld [smem:$0x7C9];
	s19 =	smov.u32 @p0 s0;
	s0 =	spop (v2sf)  }
0x275: {  	s18 =	smov.u32 @p4 s23;
	s21 =	simm.s32 @p0 $0x9;
	p0 =	sgt.s32 s0, s19  }
0x276: {  	p3 =	sgt.s32 s1, s18;
	s19 =	smov.u32 @p0 s0;
	s0 =	spop (v2sf)  }
0x277: {  	s18 =	smov.u32 @p3 s1;
	s21 =	simm.s32 @p0 $0xA;
	p0 =	sgt.s32 s0, s19  }
0x278: {  	p1 =	seq.s32 s31, $0x1;
	s19 =	smov.u32 @p0 s0;
	s0 =	spop (v2sf)  }
0x279: {  	s20 =	simm.s32 @p1 $0xB;
	s21 =	simm.s32 @p0 $0xB;
	p0 =	sgt.s32 s0, s19  }
0x27a: {  	s20 =	simm.s32 @p2 $0xC;
	s19 =	smov.u32 @p0 s0;
	s0 =	spop (v2sf)  }
0x27b: {  	s20 =	simm.s32 @p4 $0xD;
	s21 =	simm.s32 @p0 $0xC;
	p0 =	sgt.s32 s0, s19  }
.Ltmp19:
0x27c: {  	s19 =	smov.u32 @p0 s0;
	s0 =	spop (v2sf);
	(pc) =	sbr.rel .LBB2_33-.Ltmp19, $4  }
0x27d: {  	s20 =	simm.s32 @p3 $0xE;
	s21 =	simm.s32 @p0 $0xD;
	p0 =	sgt.s32 s0, s19  }
0x27e: {  	p5 =	sgt.s32 s22, s18;
	s19 =	smov.u32 @p0 s0;
	s0 =	spop (v2sf)  }
0x27f: {  	s18 =	smov.u32 @p5 s22;
	s21 =	simm.s32 @p0 $0xE;
	p0 =	sgt.s32 s0, s19  }
0x280: {  	s20 =	simm.s32 @p5 $0xF;
	s19 =	smov.u32 @p0 s0;
	s21 =	simm.s32 @p0 $0xF  }
.LBB2_13:
.Ltmp20:
0x281: {  	_ = 	snop;
	(pc) =	sbr.rel .LBB2_20-.Ltmp20, $2  }
0x282: {  	_ =	sdelay $0x2  }
0x283: {  	v9 =	vmovc v4;
	v8 =	vmov v5;
	v10 =	vmov v6;
	v6 =	vmov v3  }
.LBB2_25:
.Ltmp21:
0x284: {  	_ = 	snop;
	(pc) =	sbr.rel .LBB2_32-.Ltmp21, $2  }
0x285: {  	_ =	sdelay $0x2  }
0x286: {  	v9 =	vmovc v4;
	v8 =	vmov v5;
	v10 =	vmov v6;
	v6 =	vmov v3  }
.LBB2_15:
.Ltmp22:
0x287: {  	(pc) =	sbr.rel .LBB2_20-.Ltmp22, $2  }
0x288: {  	_ =	sdelay $0x2  }
0x289: {  	v9 =	vmov v4;
	v8 =	vmov v5;
	v6 =	vmov v3  }
.LBB2_27:
.Ltmp23:
0x28a: {  	(pc) =	sbr.rel .LBB2_32-.Ltmp23, $2  }
0x28b: {  	_ =	sdelay $0x2  }
0x28c: {  	v9 =	vmov v4;
	v8 =	vmov v5;
	v6 =	vmov v3  }
.LBB2_17:
.Ltmp24:
0x28d: {  	(pc) =	sbr.rel .LBB2_20-.Ltmp24, $2  }
0x28e: {  	_ =	sdelay $0x2  }
0x28f: {  	v9 =	vmov v4;
	v10 =	vmov v11  }
.LBB2_29:
.Ltmp25:
0x290: {  	(pc) =	sbr.rel .LBB2_32-.Ltmp25, $2  }
0x291: {  	_ =	sdelay $0x2  }
0x292: {  	v9 =	vmov v4;
	v10 =	vmov v11  }
.LBB2_34:
0x293: {  	_ =	sfence.sel $0x180000  }
0x294: {  	[bflag:$0x0] =	sbarrier.arrive $0xFFFF  }
0x295: {  	_ =	strace $0x90000047  }
0x296: {  	s0 =	stileid.u32;
	[bflag:$0x2] =	sbarrier.arrive $0xFFFF  }
0x297: {  	p0 =	sne.s32 s0, $0x0;
	s0 =	rddreg [dreg:$0x2]  }
0x298: {  	s0 =	sadd.s32 @!p0 $0x100000, s0  }
0x299: {  	[sflag:s0] =	ssyncadd.tile.s32 @!p0 $0x1;
	_ =	shalt  }
.Lfunc_end2:
_tile_overlayer_lowered:
.L_overlay_start_2:
0x29a: {  	(tag) =	ssettag $0x2  }
0x29b: {  	s0 =	rddreg [dreg:$0x0];
	s2 =	stileid.u32  }
0x29c: {  	s1 =	rddreg [dreg:$0x1];
	p0 =	sne.s32 s2, $0x0  }
0x29d: {  	s3 =	rddreg [dreg:$0x2];
	[bflag:$0x3] =	sbarrier.arrive $0xFFFF;
	s2 =	simm.s32 @!p0 $0x1C05  }
0x29e: {  	[timem:s3], [sflag:s2] =	dma.local @!p0 [hbm:s0], s1  }
0x29f: {  	s0 =	simm.s32 @!p0 $0x5  }
0x2a0: {  	_ =	swait.ge @!p0 [sflag:s0], s1  }
0x2a1: {  	s1 =	ssub.s32 @!p0 $0x0, s1;
	[sflag:s0] =	ssyncset.done @!p0 $0x0  }
0x2a2: {  	[sflag:s0] =	ssyncadd.s32 @!p0 s1  }
0x2a3: {  	[bflag:$0x3] =	sbarrier.arrive $0xFFFF  }
0x2a4: {  	_ =	shalt  }

</sc_bundles>
